<compile_context>
chip_gen: v7x
topology: tpu7x:2x2x1
jax: 0.10.2.dev20260603
libtpu: 0.0.44.dev20260713+nightly
codegen_flags: <defaults>
</compile_context>

<pallas_src>
import functools

import jax
import jax.numpy as jnp
import numpy as np
from jax import lax
from jax.experimental import pallas as pl
from jax.experimental.pallas import tpu as pltpu
from jax.experimental.pallas import tpu_sc as plsc

_B, _C1, _H, _W = 16, 192, 32, 32
_HW = _H * _W
_CS = 32
_CSE = _CS * (_CS - 1) // 2
_EPS = 1e-5
_NCH = _C1 + _CSE
_BPB = 2


_NCHUNK = _C1 // 16


def _topk_sc(logits_flat):
    nc = 1
    mesh = plsc.VectorSubcoreMesh(core_axis_name="c", subcore_axis_name="s",
                                  num_cores=1)

    @functools.partial(
        pl.kernel,
        mesh=mesh,
        out_type=jax.ShapeDtypeStruct((_B * _CS,), jnp.int32),
        scratch_types=[
            pltpu.VMEM((_C1,), jnp.float32),
            pltpu.VMEM((_CS,), jnp.int32),
        ],
        compiler_params=pltpu.CompilerParams(needs_layout_passes=False),
    )
    def k(lg_hbm, out_hbm, lg_v, idx_v):
        wid = lax.axis_index("s") * nc + lax.axis_index("c")

        @pl.when(wid < _B)
        def _():
            pltpu.sync_copy(lg_hbm.at[pl.ds(wid * _C1, _C1)], lg_v)
            iota = lax.iota(jnp.int32, 16)
            big = jnp.int32(1 << 30)
            neg = jnp.float32(-jnp.inf)

            def body(r, carry):
                vs = list(carry[:_NCHUNK])
                acc0, acc1 = carry[_NCHUNK], carry[_NCHUNK + 1]
                m = vs[0]
                for a in range(1, _NCHUNK):
                    m = jnp.maximum(m, vs[a])
                mm = jnp.max(m)
                g = big
                for a in range(_NCHUNK):
                    cand = jnp.where(vs[a] == mm, iota + a * 16, big)
                    g = jnp.minimum(g, jnp.min(cand))
                acc0 = jnp.where(iota == r, g, acc0)
                acc1 = jnp.where(iota == (r - 16), g, acc1)
                for a in range(_NCHUNK):
                    vs[a] = jnp.where((iota + a * 16) == g, neg, vs[a])
                return tuple(vs) + (acc0, acc1)

            init = tuple(lg_v[pl.ds(a * 16, 16)] for a in range(_NCHUNK))
            init = init + (jnp.zeros((16,), jnp.int32),) * 2
            res = lax.fori_loop(0, _CS, body, init)
            idx_v[pl.ds(0, 16)] = res[_NCHUNK]
            idx_v[pl.ds(16, 16)] = res[_NCHUNK + 1]
            pltpu.sync_copy(idx_v, out_hbm.at[pl.ds(wid * _CS, _CS)])

    return k(logits_flat)


def _main_body(x_ref, w_ref, b_ref, idx_ref, gi_ref, gj_ref, e_ref, ut_ref, o_ref):
    for s in range(_BPB):
        x = x_ref[s]
        y = lax.dot_general(x, w_ref[...], (((1,), (1,)), ((), ())),
                            preferred_element_type=jnp.float32) + b_ref[0:1, :]
        idxv = idx_ref[s, 0]
        sel = (lax.broadcasted_iota(jnp.int32, (_C1, _CS), 0)
               == idxv[None, :]).astype(jnp.float32)
        ai = e_ref[...] + lax.dot_general(sel, gi_ref[...], (((1,), (0,)), ((), ())),
                                          preferred_element_type=jnp.float32)
        aj = lax.dot_general(sel, gj_ref[...], (((1,), (0,)), ((), ())),
                             preferred_element_type=jnp.float32)
        pa = lax.dot_general(y, ai, (((1,), (0,)), ((), ())),
                             preferred_element_type=jnp.float32)
        pb = lax.dot_general(y, aj, (((1,), (0,)), ((), ())),
                             preferred_element_type=jnp.float32)
        o_ref[s] = pa * (pb + ut_ref[0:1, :]) + ut_ref[1:2, :]


def _main_call(xc, w, b8, idx3, gi, gj, e_c, ut):
    return pl.pallas_call(
        _main_body,
        grid=(_B // _BPB,),
        in_specs=[
            pl.BlockSpec((_BPB, _HW, _C1), lambda b: (b, 0, 0)),
            pl.BlockSpec((_C1, _C1), lambda b: (0, 0)),
            pl.BlockSpec((8, _C1), lambda b: (0, 0)),
            pl.BlockSpec((_BPB, 1, _CS), lambda b: (b, 0, 0)),
            pl.BlockSpec((_CS, _NCH), lambda b: (0, 0)),
            pl.BlockSpec((_CS, _NCH), lambda b: (0, 0)),
            pl.BlockSpec((_C1, _NCH), lambda b: (0, 0)),
            pl.BlockSpec((8, _NCH), lambda b: (0, 0)),
        ],
        out_specs=pl.BlockSpec((_BPB, _HW, _NCH), lambda b: (b, 0, 0)),
        out_shape=jax.ShapeDtypeStruct((_B, _HW, _NCH), jnp.float32),
    )(xc, w, b8, idx3, gi, gj, e_c, ut)


def kernel(x, fc_w, fc_b, bn_gamma, bn_beta, bn_mean, bn_var,
           eva_w, eva_b, chn_gamma, chn_beta, chn_mean, chn_var, hi, hj):
    scale = bn_gamma * lax.rsqrt(bn_var + _EPS)
    w = fc_w * scale[:, None]
    b = (fc_b - bn_mean) * scale + bn_beta
    ps = chn_gamma * lax.rsqrt(chn_var + _EPS)
    pt = chn_beta - chn_mean * ps

    ii, jj = np.triu_indices(_CS, k=1)
    ohi = np.zeros((_CS, _NCH), np.float32)
    ohi[ii, _C1 + np.arange(_CSE)] = 1.0
    ohj = np.zeros((_CS, _NCH), np.float32)
    ohj[jj, _C1 + np.arange(_CSE)] = 1.0
    smask = np.zeros((_NCH,), np.float32)
    smask[_C1:] = 1.0
    gi = jnp.asarray(ohi) * jnp.concatenate([jnp.ones((_C1,), jnp.float32), ps])[None, :]
    gj = jnp.asarray(ohj)
    e_c = np.zeros((_C1, _NCH), np.float32)
    e_c[np.arange(_C1), np.arange(_C1)] = 1.0
    u_row = 1.0 - smask
    t_row = jnp.concatenate([jnp.zeros((_C1,), jnp.float32), pt])
    ut = jnp.concatenate([jnp.asarray(u_row)[None], t_row[None],
                          jnp.zeros((6, _NCH), jnp.float32)], axis=0)
    b8 = jnp.broadcast_to(b[None, :], (8, _C1))

    xc = x.transpose(0, 2, 3, 1).reshape(_B, _HW, _C1)
    y_lg = jnp.einsum('bchw,oc->bohw', x, fc_w) + fc_b[None, :, None, None]
    y_lg = (y_lg - bn_mean[None, :, None, None]) / jnp.sqrt(bn_var + _EPS)[None, :, None, None]
    y_lg = y_lg * bn_gamma[None, :, None, None] + bn_beta[None, :, None, None]
    pooled = jnp.mean(y_lg, axis=(2, 3))
    logits = pooled @ eva_w.T + eva_b
    idx = _topk_sc(logits.reshape(_B * _C1))
    out = _main_call(xc, w, b8, idx.reshape(_B, 1, _CS), gi, gj, jnp.asarray(e_c), ut)
    return out.reshape(_B, _H, _W, _NCH).transpose(0, 3, 1, 2)

# --- scband reference (transcript-rebuilt; emitter-appended) ---
"""Pipeline reference for scband-hadamard-expansion-v2-11192684773781 (READ-ONLY COPY).

The authoritative reference and input builder live on the scoring server;
editing this copy changes nothing except your own understanding.
"""

import jax, jax.numpy as jnp
import numpy as np

B, C1, H, W = 16, 192, 32, 32
CS = 32
CSE = CS * (CS - 1) // 2
EPS = 1e-5


def setup_inputs(seed: int = 0) -> dict:
    key = jax.random.key(seed)
    ks = jax.random.split(key, 4)
    x = jax.random.normal(ks[0], (B, C1, H, W), dtype=jnp.float32)
    fc_w = jax.random.normal(ks[1], (C1, C1), dtype=jnp.float32) * 0.05
    fc_b = jnp.zeros((C1,), jnp.float32)
    bn_gamma = jnp.ones((C1,), jnp.float32)
    bn_beta = jnp.zeros((C1,), jnp.float32)
    bn_mean = jnp.zeros((C1,), jnp.float32)
    bn_var = jnp.ones((C1,), jnp.float32)
    eva_w = jax.random.normal(ks[2], (C1, C1), dtype=jnp.float32) * 0.05
    eva_b = jnp.zeros((C1,), jnp.float32)
    chn_gamma = jnp.ones((CSE,), jnp.float32)
    chn_beta = jnp.zeros((CSE,), jnp.float32)
    chn_mean = jnp.zeros((CSE,), jnp.float32)
    chn_var = jnp.ones((CSE,), jnp.float32)
    ii, jj = np.triu_indices(CS, k=1)
    hi = jnp.asarray(ii, jnp.int32)
    hj = jnp.asarray(jj, jnp.int32)
    return {
        'x': x, 'fc_w': fc_w, 'fc_b': fc_b,
        'bn_gamma': bn_gamma, 'bn_beta': bn_beta, 'bn_mean': bn_mean, 'bn_var': bn_var,
        'eva_w': eva_w, 'eva_b': eva_b,
        'chn_gamma': chn_gamma, 'chn_beta': chn_beta, 'chn_mean': chn_mean, 'chn_var': chn_var,
        'hi': hi, 'hj': hj,
    }


def reference(x, fc_w, fc_b, bn_gamma, bn_beta, bn_mean, bn_var,
              eva_w, eva_b, chn_gamma, chn_beta, chn_mean, chn_var, hi, hj):
    # fc: 1x1 conv
    y = jnp.einsum('bchw,oc->bohw', x, fc_w) + fc_b[None, :, None, None]
    # norm_x: BatchNorm2d (eval mode, running stats)
    y = (y - bn_mean[None, :, None, None]) / jnp.sqrt(bn_var + EPS)[None, :, None, None]
    y = y * bn_gamma[None, :, None, None] + bn_beta[None, :, None, None]
    # _get_selected (eval path): global-avg-pool -> linear -> top-k channel indices -> gather
    pooled = jnp.mean(y, axis=(2, 3))               # [B, C1]
    logits = pooled @ eva_w.T + eva_b               # [B, C1]
    _, topk_idx = jax.lax.top_k(logits, CS)         # [B, CS]
    x_sel = y[jnp.arange(B)[:, None], topk_idx]     # [B, CS, H, W]
    # hadamard expansion: pairwise channel products
    x_sel_ex = x_sel[:, hi] * x_sel[:, hj]          # [B, CSE, H, W]
    # CrossHadaNorm: BN-style normalization over expanded channels (eval, running stats)
    x_sel_ex = (x_sel_ex - chn_mean[None, :, None, None]) / jnp.sqrt(chn_var + EPS)[None, :, None, None]
    x_sel_ex = x_sel_ex * chn_gamma[None, :, None, None] + chn_beta[None, :, None, None]
    return jnp.concatenate([y, x_sel_ex], axis=1)   # [B, C1+CSE, H, W]

if __name__ == "__main__":
    import jax
    _d = setup_inputs()
    print(jax.jit(kernel)(*tuple(_d.values())))

</pallas_src>

<mosaic_0001>
#map = affine_map<(d0, d1) -> (0)>
module attributes {stable_mosaic.version = 14 : i64} {
  func.func @k(%arg0: i32, %arg1: i32, %arg2: memref<3072xf32, #tpu.memory_space<hbm>>, %arg3: memref<512xi32, #tpu.memory_space<hbm>>, %arg4: memref<192xf32, #tpu.memory_space<vmem>>, %arg5: memref<32xi32, #tpu.memory_space<vmem>>) attributes {dimension_semantics = [#tpu.dimension_semantics<core_parallel>, #tpu.dimension_semantics<subcore_parallel>], iteration_bounds = array<i64: 1, 16>, scalar_prefetch = 0 : i64, scratch_operands = 2 : i64, tpu.core_type = #tpu.core_type<sc_vector_subcore>, window_params = [{transform_indices = #map}, {transform_indices = #map}]} {
    %mul3A = arith.constant 1 : i32
    %mul3A_0 = arith.muli %arg1, %mul3A : i32
    %add3A = arith.addi %mul3A_0, %arg0 : i32
    %lt3A = arith.constant 16 : i32
    %lt3A_1 = arith.cmpi slt, %add3A, %lt3A : i32
    %convert_element_type3A = arith.extui %lt3A_1 : i1 to i32
    %cond3A = arith.constant 0 : i32
    %cond3A_2 = arith.cmpi ne, %convert_element_type3A, %cond3A : i32
    scf.if %cond3A_2 {
      %mul3A_3 = arith.constant 192 : i32
      %mul3A_4 = arith.muli %add3A, %mul3A_3 : i32
      "tpu.region"() ({
        %run_scoped3A = tpu.sem_alloc : memref<!tpu.dma_semaphore, #tpu.memory_space<semaphore_mem>>
        %dma_start3A = tpu.memref_slice %arg2[%mul3A_4] : memref<3072xf32, #tpu.memory_space<hbm>> -> memref<192xf32, #tpu.memory_space<hbm>>
        %dma_start3A_41 = tpu.memref_slice %arg2[%mul3A_4] : memref<3072xf32, #tpu.memory_space<hbm>> -> memref<192xf32, #tpu.memory_space<hbm>>
        tpu.enqueue_dma source(%dma_start3A_41 : memref<192xf32, #tpu.memory_space<hbm>>) target(%arg4 : memref<192xf32, #tpu.memory_space<vmem>>) target_semaphore(%run_scoped3A : memref<!tpu.dma_semaphore, #tpu.memory_space<semaphore_mem>>)
        %dma_wait3A = tpu.memref_slice %arg2[%mul3A_4] : memref<3072xf32, #tpu.memory_space<hbm>> -> memref<192xf32, #tpu.memory_space<hbm>>
        %dma_wait3A_42 = tpu.memref_slice %arg2[%mul3A_4] : memref<3072xf32, #tpu.memory_space<hbm>> -> memref<192xf32, #tpu.memory_space<hbm>>
        tpu.wait_dma2 semaphore(%run_scoped3A : memref<!tpu.dma_semaphore, #tpu.memory_space<semaphore_mem>>) src(%dma_wait3A_42 : memref<192xf32, #tpu.memory_space<hbm>>) dst(%arg4 : memref<192xf32, #tpu.memory_space<vmem>>)
        tpu.yield
      }) : () -> ()
      %iota3A = tpu.iota {dimensions = array<i32: 0>} : vector<16xi32>
      %get3A = arith.constant 0 : index
      %get3A_5 = tpu.vector_load %arg4[%get3A] {strides = array<i32>} : memref<192xf32, #tpu.memory_space<vmem>>, vector<16xf32>,
      %get3A_6 = arith.constant 16 : index
      %get3A_7 = tpu.vector_load %arg4[%get3A_6] {strides = array<i32>} : memref<192xf32, #tpu.memory_space<vmem>>, vector<16xf32>,
      %get3A_8 = arith.constant 32 : index
      %get3A_9 = tpu.vector_load %arg4[%get3A_8] {strides = array<i32>} : memref<192xf32, #tpu.memory_space<vmem>>, vector<16xf32>,
      %get3A_10 = arith.constant 48 : index
      %get3A_11 = tpu.vector_load %arg4[%get3A_10] {strides = array<i32>} : memref<192xf32, #tpu.memory_space<vmem>>, vector<16xf32>,
      %get3A_12 = arith.constant 64 : index
      %get3A_13 = tpu.vector_load %arg4[%get3A_12] {strides = array<i32>} : memref<192xf32, #tpu.memory_space<vmem>>, vector<16xf32>,
      %get3A_14 = arith.constant 80 : index
      %get3A_15 = tpu.vector_load %arg4[%get3A_14] {strides = array<i32>} : memref<192xf32, #tpu.memory_space<vmem>>, vector<16xf32>,
      %get3A_16 = arith.constant 96 : index
      %get3A_17 = tpu.vector_load %arg4[%get3A_16] {strides = array<i32>} : memref<192xf32, #tpu.memory_space<vmem>>, vector<16xf32>,
      %get3A_18 = arith.constant 112 : index
      %get3A_19 = tpu.vector_load %arg4[%get3A_18] {strides = array<i32>} : memref<192xf32, #tpu.memory_space<vmem>>, vector<16xf32>,
      %get3A_20 = arith.constant 128 : index
      %get3A_21 = tpu.vector_load %arg4[%get3A_20] {strides = array<i32>} : memref<192xf32, #tpu.memory_space<vmem>>, vector<16xf32>,
      %get3A_22 = arith.constant 144 : index
      %get3A_23 = tpu.vector_load %arg4[%get3A_22] {strides = array<i32>} : memref<192xf32, #tpu.memory_space<vmem>>, vector<16xf32>,
      %get3A_24 = arith.constant 160 : index
      %get3A_25 = tpu.vector_load %arg4[%get3A_24] {strides = array<i32>} : memref<192xf32, #tpu.memory_space<vmem>>, vector<16xf32>,
      %get3A_26 = arith.constant 176 : index
      %get3A_27 = tpu.vector_load %arg4[%get3A_26] {strides = array<i32>} : memref<192xf32, #tpu.memory_space<vmem>>, vector<16xf32>,
      %broadcast_in_dim3A = arith.constant 0 : i32
      %broadcast_in_dim3A_28 = vector.broadcast %broadcast_in_dim3A : i32 to vector<16xi32>
      %scan3A = arith.constant 1073741824 : i32
      %scan3A_29 = arith.constant 0xFF800000 : f32
      %scan3A_30 = arith.constant 0 : i32
      %scan3A_31 = arith.constant 32 : i32
      %scan3A_32 = arith.addi %scan3A_30, %scan3A_31 : i32
      %scan3A_33 = arith.constant 1 : i32
      %scan3A_34:14 = scf.for %scan3A_41 = %scan3A_30 to %scan3A_32 step %scan3A_33 iter_args(%scan3A_42 = %get3A_5, %scan3A_43 = %get3A_7, %scan3A_44 = %get3A_9, %scan3A_45 = %get3A_11, %scan3A_46 = %get3A_13, %scan3A_47 = %get3A_15, %scan3A_48 = %get3A_17, %scan3A_49 = %get3A_19, %scan3A_50 = %get3A_21, %scan3A_51 = %get3A_23, %scan3A_52 = %get3A_25, %scan3A_53 = %get3A_27, %scan3A_54 = %broadcast_in_dim3A_28, %scan3A_55 = %broadcast_in_dim3A_28) -> (vector<16xf32>, vector<16xf32>, vector<16xf32>, vector<16xf32>, vector<16xf32>, vector<16xf32>, vector<16xf32>, vector<16xf32>, vector<16xf32>, vector<16xf32>, vector<16xf32>, vector<16xf32>, vector<16xi32>, vector<16xi32>)  : i32 {
        %max3A = arith.maximumf %scan3A_42, %scan3A_43 : vector<16xf32>
        %max3A_56 = arith.maximumf %max3A, %scan3A_44 : vector<16xf32>
        %max3A_57 = arith.maximumf %max3A_56, %scan3A_45 : vector<16xf32>
        %max3A_58 = arith.maximumf %max3A_57, %scan3A_46 : vector<16xf32>
        %max3A_59 = arith.maximumf %max3A_58, %scan3A_47 : vector<16xf32>
        %max3A_60 = arith.maximumf %max3A_59, %scan3A_48 : vector<16xf32>
        %max3A_61 = arith.maximumf %max3A_60, %scan3A_49 : vector<16xf32>
        %max3A_62 = arith.maximumf %max3A_61, %scan3A_50 : vector<16xf32>
        %max3A_63 = arith.maximumf %max3A_62, %scan3A_51 : vector<16xf32>
        %max3A_64 = arith.maximumf %max3A_63, %scan3A_52 : vector<16xf32>
        %max3A_65 = arith.maximumf %max3A_64, %scan3A_53 : vector<16xf32>
        %reduce_max3A = arith.constant true
        %reduce_max3A_66 = vector.broadcast %reduce_max3A : i1 to vector<16xi1>
        %reduce_max3A_67 = tpu.scan <max>, %max3A_65 masked %reduce_max3A_66 : vector<16xf32>, vector<16xi1> -> vector<16xf32>
        %reduce_max3A_68 = vector.extract %reduce_max3A_67[15] : f32 from vector<16xf32>
        %eq3A = vector.broadcast %reduce_max3A_68 : f32 to vector<16xf32>
        %eq3A_69 = arith.cmpf oeq, %scan3A_42, %eq3A : vector<16xf32>
        %add3A_70 = arith.constant 0 : i32
        %add3A_71 = vector.broadcast %add3A_70 : i32 to vector<16xi32>
        %add3A_72 = arith.addi %iota3A, %add3A_71 : vector<16xi32>
        %broadcast_in_dim3A_73 = vector.broadcast %scan3A : i32 to vector<16xi32>
        %select_n3A = arith.select %eq3A_69, %add3A_72, %broadcast_in_dim3A_73 : vector<16xi1>, vector<16xi32>
        %reduce_min3A = arith.constant true
        %reduce_min3A_74 = vector.broadcast %reduce_min3A : i1 to vector<16xi1>
        %reduce_min3A_75 = arith.constant -2147483648 : i32
        %reduce_min3A_76 = vector.broadcast %reduce_min3A_75 : i32 to vector<16xi32>
        %reduce_min3A_77 = arith.xori %select_n3A, %reduce_min3A_76 : vector<16xi32>
        %reduce_min3A_78 = tpu.scan <min>, %reduce_min3A_77 masked %reduce_min3A_74 : vector<16xi32>, vector<16xi1> -> vector<16xi32>
        %reduce_min3A_79 = arith.xori %reduce_min3A_78, %reduce_min3A_76 : vector<16xi32>
        %reduce_min3A_80 = vector.extract %reduce_min3A_79[15] : i32 from vector<16xi32>
        %min3A = arith.minsi %scan3A, %reduce_min3A_80 : i32
        %eq3A_81 = vector.broadcast %reduce_max3A_68 : f32 to vector<16xf32>
        %eq3A_82 = arith.cmpf oeq, %scan3A_43, %eq3A_81 : vector<16xf32>
        %add3A_83 = arith.constant 16 : i32
        %add3A_84 = vector.broadcast %add3A_83 : i32 to vector<16xi32>
        %add3A_85 = arith.addi %iota3A, %add3A_84 : vector<16xi32>
        %broadcast_in_dim3A_86 = vector.broadcast %scan3A : i32 to vector<16xi32>
        %select_n3A_87 = arith.select %eq3A_82, %add3A_85, %broadcast_in_dim3A_86 : vector<16xi1>, vector<16xi32>
        %reduce_min3A_88 = arith.constant true
        %reduce_min3A_89 = vector.broadcast %reduce_min3A_88 : i1 to vector<16xi1>
        %reduce_min3A_90 = arith.constant -2147483648 : i32
        %reduce_min3A_91 = vector.broadcast %reduce_min3A_90 : i32 to vector<16xi32>
        %reduce_min3A_92 = arith.xori %select_n3A_87, %reduce_min3A_91 : vector<16xi32>
        %reduce_min3A_93 = tpu.scan <min>, %reduce_min3A_92 masked %reduce_min3A_89 : vector<16xi32>, vector<16xi1> -> vector<16xi32>
        %reduce_min3A_94 = arith.xori %reduce_min3A_93, %reduce_min3A_91 : vector<16xi32>
        %reduce_min3A_95 = vector.extract %reduce_min3A_94[15] : i32 from vector<16xi32>
        %min3A_96 = arith.minsi %min3A, %reduce_min3A_95 : i32
        %eq3A_97 = vector.broadcast %reduce_max3A_68 : f32 to vector<16xf32>
        %eq3A_98 = arith.cmpf oeq, %scan3A_44, %eq3A_97 : vector<16xf32>
        %add3A_99 = arith.constant 32 : i32
        %add3A_100 = vector.broadcast %add3A_99 : i32 to vector<16xi32>
        %add3A_101 = arith.addi %iota3A, %add3A_100 : vector<16xi32>
        %broadcast_in_dim3A_102 = vector.broadcast %scan3A : i32 to vector<16xi32>
        %select_n3A_103 = arith.select %eq3A_98, %add3A_101, %broadcast_in_dim3A_102 : vector<16xi1>, vector<16xi32>
        %reduce_min3A_104 = arith.constant true
        %reduce_min3A_105 = vector.broadcast %reduce_min3A_104 : i1 to vector<16xi1>
        %reduce_min3A_106 = arith.constant -2147483648 : i32
        %reduce_min3A_107 = vector.broadcast %reduce_min3A_106 : i32 to vector<16xi32>
        %reduce_min3A_108 = arith.xori %select_n3A_103, %reduce_min3A_107 : vector<16xi32>
        %reduce_min3A_109 = tpu.scan <min>, %reduce_min3A_108 masked %reduce_min3A_105 : vector<16xi32>, vector<16xi1> -> vector<16xi32>
        %reduce_min3A_110 = arith.xori %reduce_min3A_109, %reduce_min3A_107 : vector<16xi32>
        %reduce_min3A_111 = vector.extract %reduce_min3A_110[15] : i32 from vector<16xi32>
        %min3A_112 = arith.minsi %min3A_96, %reduce_min3A_111 : i32
        %eq3A_113 = vector.broadcast %reduce_max3A_68 : f32 to vector<16xf32>
        %eq3A_114 = arith.cmpf oeq, %scan3A_45, %eq3A_113 : vector<16xf32>
        %add3A_115 = arith.constant 48 : i32
        %add3A_116 = vector.broadcast %add3A_115 : i32 to vector<16xi32>
        %add3A_117 = arith.addi %iota3A, %add3A_116 : vector<16xi32>
        %broadcast_in_dim3A_118 = vector.broadcast %scan3A : i32 to vector<16xi32>
        %select_n3A_119 = arith.select %eq3A_114, %add3A_117, %broadcast_in_dim3A_118 : vector<16xi1>, vector<16xi32>
        %reduce_min3A_120 = arith.constant true
        %reduce_min3A_121 = vector.broadcast %reduce_min3A_120 : i1 to vector<16xi1>
        %reduce_min3A_122 = arith.constant -2147483648 : i32
        %reduce_min3A_123 = vector.broadcast %reduce_min3A_122 : i32 to vector<16xi32>
        %reduce_min3A_124 = arith.xori %select_n3A_119, %reduce_min3A_123 : vector<16xi32>
        %reduce_min3A_125 = tpu.scan <min>, %reduce_min3A_124 masked %reduce_min3A_121 : vector<16xi32>, vector<16xi1> -> vector<16xi32>
        %reduce_min3A_126 = arith.xori %reduce_min3A_125, %reduce_min3A_123 : vector<16xi32>
        %reduce_min3A_127 = vector.extract %reduce_min3A_126[15] : i32 from vector<16xi32>
        %min3A_128 = arith.minsi %min3A_112, %reduce_min3A_127 : i32
        %eq3A_129 = vector.broadcast %reduce_max3A_68 : f32 to vector<16xf32>
        %eq3A_130 = arith.cmpf oeq, %scan3A_46, %eq3A_129 : vector<16xf32>
        %add3A_131 = arith.constant 64 : i32
        %add3A_132 = vector.broadcast %add3A_131 : i32 to vector<16xi32>
        %add3A_133 = arith.addi %iota3A, %add3A_132 : vector<16xi32>
        %broadcast_in_dim3A_134 = vector.broadcast %scan3A : i32 to vector<16xi32>
        %select_n3A_135 = arith.select %eq3A_130, %add3A_133, %broadcast_in_dim3A_134 : vector<16xi1>, vector<16xi32>
        %reduce_min3A_136 = arith.constant true
        %reduce_min3A_137 = vector.broadcast %reduce_min3A_136 : i1 to vector<16xi1>
        %reduce_min3A_138 = arith.constant -2147483648 : i32
        %reduce_min3A_139 = vector.broadcast %reduce_min3A_138 : i32 to vector<16xi32>
        %reduce_min3A_140 = arith.xori %select_n3A_135, %reduce_min3A_139 : vector<16xi32>
        %reduce_min3A_141 = tpu.scan <min>, %reduce_min3A_140 masked %reduce_min3A_137 : vector<16xi32>, vector<16xi1> -> vector<16xi32>
        %reduce_min3A_142 = arith.xori %reduce_min3A_141, %reduce_min3A_139 : vector<16xi32>
        %reduce_min3A_143 = vector.extract %reduce_min3A_142[15] : i32 from vector<16xi32>
        %min3A_144 = arith.minsi %min3A_128, %reduce_min3A_143 : i32
        %eq3A_145 = vector.broadcast %reduce_max3A_68 : f32 to vector<16xf32>
        %eq3A_146 = arith.cmpf oeq, %scan3A_47, %eq3A_145 : vector<16xf32>
        %add3A_147 = arith.constant 80 : i32
        %add3A_148 = vector.broadcast %add3A_147 : i32 to vector<16xi32>
        %add3A_149 = arith.addi %iota3A, %add3A_148 : vector<16xi32>
        %broadcast_in_dim3A_150 = vector.broadcast %scan3A : i32 to vector<16xi32>
        %select_n3A_151 = arith.select %eq3A_146, %add3A_149, %broadcast_in_dim3A_150 : vector<16xi1>, vector<16xi32>
        %reduce_min3A_152 = arith.constant true
        %reduce_min3A_153 = vector.broadcast %reduce_min3A_152 : i1 to vector<16xi1>
        %reduce_min3A_154 = arith.constant -2147483648 : i32
        %reduce_min3A_155 = vector.broadcast %reduce_min3A_154 : i32 to vector<16xi32>
        %reduce_min3A_156 = arith.xori %select_n3A_151, %reduce_min3A_155 : vector<16xi32>
        %reduce_min3A_157 = tpu.scan <min>, %reduce_min3A_156 masked %reduce_min3A_153 : vector<16xi32>, vector<16xi1> -> vector<16xi32>
        %reduce_min3A_158 = arith.xori %reduce_min3A_157, %reduce_min3A_155 : vector<16xi32>
        %reduce_min3A_159 = vector.extract %reduce_min3A_158[15] : i32 from vector<16xi32>
        %min3A_160 = arith.minsi %min3A_144, %reduce_min3A_159 : i32
        %eq3A_161 = vector.broadcast %reduce_max3A_68 : f32 to vector<16xf32>
        %eq3A_162 = arith.cmpf oeq, %scan3A_48, %eq3A_161 : vector<16xf32>
        %add3A_163 = arith.constant 96 : i32
        %add3A_164 = vector.broadcast %add3A_163 : i32 to vector<16xi32>
        %add3A_165 = arith.addi %iota3A, %add3A_164 : vector<16xi32>
        %broadcast_in_dim3A_166 = vector.broadcast %scan3A : i32 to vector<16xi32>
        %select_n3A_167 = arith.select %eq3A_162, %add3A_165, %broadcast_in_dim3A_166 : vector<16xi1>, vector<16xi32>
        %reduce_min3A_168 = arith.constant true
        %reduce_min3A_169 = vector.broadcast %reduce_min3A_168 : i1 to vector<16xi1>
        %reduce_min3A_170 = arith.constant -2147483648 : i32
        %reduce_min3A_171 = vector.broadcast %reduce_min3A_170 : i32 to vector<16xi32>
        %reduce_min3A_172 = arith.xori %select_n3A_167, %reduce_min3A_171 : vector<16xi32>
        %reduce_min3A_173 = tpu.scan <min>, %reduce_min3A_172 masked %reduce_min3A_169 : vector<16xi32>, vector<16xi1> -> vector<16xi32>
        %reduce_min3A_174 = arith.xori %reduce_min3A_173, %reduce_min3A_171 : vector<16xi32>
        %reduce_min3A_175 = vector.extract %reduce_min3A_174[15] : i32 from vector<16xi32>
        %min3A_176 = arith.minsi %min3A_160, %reduce_min3A_175 : i32
        %eq3A_177 = vector.broadcast %reduce_max3A_68 : f32 to vector<16xf32>
        %eq3A_178 = arith.cmpf oeq, %scan3A_49, %eq3A_177 : vector<16xf32>
        %add3A_179 = arith.constant 112 : i32
        %add3A_180 = vector.broadcast %add3A_179 : i32 to vector<16xi32>
        %add3A_181 = arith.addi %iota3A, %add3A_180 : vector<16xi32>
        %broadcast_in_dim3A_182 = vector.broadcast %scan3A : i32 to vector<16xi32>
        %select_n3A_183 = arith.select %eq3A_178, %add3A_181, %broadcast_in_dim3A_182 : vector<16xi1>, vector<16xi32>
        %reduce_min3A_184 = arith.constant true
        %reduce_min3A_185 = vector.broadcast %reduce_min3A_184 : i1 to vector<16xi1>
        %reduce_min3A_186 = arith.constant -2147483648 : i32
        %reduce_min3A_187 = vector.broadcast %reduce_min3A_186 : i32 to vector<16xi32>
        %reduce_min3A_188 = arith.xori %select_n3A_183, %reduce_min3A_187 : vector<16xi32>
        %reduce_min3A_189 = tpu.scan <min>, %reduce_min3A_188 masked %reduce_min3A_185 : vector<16xi32>, vector<16xi1> -> vector<16xi32>
        %reduce_min3A_190 = arith.xori %reduce_min3A_189, %reduce_min3A_187 : vector<16xi32>
        %reduce_min3A_191 = vector.extract %reduce_min3A_190[15] : i32 from vector<16xi32>
        %min3A_192 = arith.minsi %min3A_176, %reduce_min3A_191 : i32
        %eq3A_193 = vector.broadcast %reduce_max3A_68 : f32 to vector<16xf32>
        %eq3A_194 = arith.cmpf oeq, %scan3A_50, %eq3A_193 : vector<16xf32>
        %add3A_195 = arith.constant 128 : i32
        %add3A_196 = vector.broadcast %add3A_195 : i32 to vector<16xi32>
        %add3A_197 = arith.addi %iota3A, %add3A_196 : vector<16xi32>
        %broadcast_in_dim3A_198 = vector.broadcast %scan3A : i32 to vector<16xi32>
        %select_n3A_199 = arith.select %eq3A_194, %add3A_197, %broadcast_in_dim3A_198 : vector<16xi1>, vector<16xi32>
        %reduce_min3A_200 = arith.constant true
        %reduce_min3A_201 = vector.broadcast %reduce_min3A_200 : i1 to vector<16xi1>
        %reduce_min3A_202 = arith.constant -2147483648 : i32
        %reduce_min3A_203 = vector.broadcast %reduce_min3A_202 : i32 to vector<16xi32>
        %reduce_min3A_204 = arith.xori %select_n3A_199, %reduce_min3A_203 : vector<16xi32>
        %reduce_min3A_205 = tpu.scan <min>, %reduce_min3A_204 masked %reduce_min3A_201 : vector<16xi32>, vector<16xi1> -> vector<16xi32>
        %reduce_min3A_206 = arith.xori %reduce_min3A_205, %reduce_min3A_203 : vector<16xi32>
        %reduce_min3A_207 = vector.extract %reduce_min3A_206[15] : i32 from vector<16xi32>
        %min3A_208 = arith.minsi %min3A_192, %reduce_min3A_207 : i32
        %eq3A_209 = vector.broadcast %reduce_max3A_68 : f32 to vector<16xf32>
        %eq3A_210 = arith.cmpf oeq, %scan3A_51, %eq3A_209 : vector<16xf32>
        %add3A_211 = arith.constant 144 : i32
        %add3A_212 = vector.broadcast %add3A_211 : i32 to vector<16xi32>
        %add3A_213 = arith.addi %iota3A, %add3A_212 : vector<16xi32>
        %broadcast_in_dim3A_214 = vector.broadcast %scan3A : i32 to vector<16xi32>
        %select_n3A_215 = arith.select %eq3A_210, %add3A_213, %broadcast_in_dim3A_214 : vector<16xi1>, vector<16xi32>
        %reduce_min3A_216 = arith.constant true
        %reduce_min3A_217 = vector.broadcast %reduce_min3A_216 : i1 to vector<16xi1>
        %reduce_min3A_218 = arith.constant -2147483648 : i32
        %reduce_min3A_219 = vector.broadcast %reduce_min3A_218 : i32 to vector<16xi32>
        %reduce_min3A_220 = arith.xori %select_n3A_215, %reduce_min3A_219 : vector<16xi32>
        %reduce_min3A_221 = tpu.scan <min>, %reduce_min3A_220 masked %reduce_min3A_217 : vector<16xi32>, vector<16xi1> -> vector<16xi32>
        %reduce_min3A_222 = arith.xori %reduce_min3A_221, %reduce_min3A_219 : vector<16xi32>
        %reduce_min3A_223 = vector.extract %reduce_min3A_222[15] : i32 from vector<16xi32>
        %min3A_224 = arith.minsi %min3A_208, %reduce_min3A_223 : i32
        %eq3A_225 = vector.broadcast %reduce_max3A_68 : f32 to vector<16xf32>
        %eq3A_226 = arith.cmpf oeq, %scan3A_52, %eq3A_225 : vector<16xf32>
        %add3A_227 = arith.constant 160 : i32
        %add3A_228 = vector.broadcast %add3A_227 : i32 to vector<16xi32>
        %add3A_229 = arith.addi %iota3A, %add3A_228 : vector<16xi32>
        %broadcast_in_dim3A_230 = vector.broadcast %scan3A : i32 to vector<16xi32>
        %select_n3A_231 = arith.select %eq3A_226, %add3A_229, %broadcast_in_dim3A_230 : vector<16xi1>, vector<16xi32>
        %reduce_min3A_232 = arith.constant true
        %reduce_min3A_233 = vector.broadcast %reduce_min3A_232 : i1 to vector<16xi1>
        %reduce_min3A_234 = arith.constant -2147483648 : i32
        %reduce_min3A_235 = vector.broadcast %reduce_min3A_234 : i32 to vector<16xi32>
        %reduce_min3A_236 = arith.xori %select_n3A_231, %reduce_min3A_235 : vector<16xi32>
        %reduce_min3A_237 = tpu.scan <min>, %reduce_min3A_236 masked %reduce_min3A_233 : vector<16xi32>, vector<16xi1> -> vector<16xi32>
        %reduce_min3A_238 = arith.xori %reduce_min3A_237, %reduce_min3A_235 : vector<16xi32>
        %reduce_min3A_239 = vector.extract %reduce_min3A_238[15] : i32 from vector<16xi32>
        %min3A_240 = arith.minsi %min3A_224, %reduce_min3A_239 : i32
        %eq3A_241 = vector.broadcast %reduce_max3A_68 : f32 to vector<16xf32>
        %eq3A_242 = arith.cmpf oeq, %scan3A_53, %eq3A_241 : vector<16xf32>
        %add3A_243 = arith.constant 176 : i32
        %add3A_244 = vector.broadcast %add3A_243 : i32 to vector<16xi32>
        %add3A_245 = arith.addi %iota3A, %add3A_244 : vector<16xi32>
        %broadcast_in_dim3A_246 = vector.broadcast %scan3A : i32 to vector<16xi32>
        %select_n3A_247 = arith.select %eq3A_242, %add3A_245, %broadcast_in_dim3A_246 : vector<16xi1>, vector<16xi32>
        %reduce_min3A_248 = arith.constant true
        %reduce_min3A_249 = vector.broadcast %reduce_min3A_248 : i1 to vector<16xi1>
        %reduce_min3A_250 = arith.constant -2147483648 : i32
        %reduce_min3A_251 = vector.broadcast %reduce_min3A_250 : i32 to vector<16xi32>
        %reduce_min3A_252 = arith.xori %select_n3A_247, %reduce_min3A_251 : vector<16xi32>
        %reduce_min3A_253 = tpu.scan <min>, %reduce_min3A_252 masked %reduce_min3A_249 : vector<16xi32>, vector<16xi1> -> vector<16xi32>
        %reduce_min3A_254 = arith.xori %reduce_min3A_253, %reduce_min3A_251 : vector<16xi32>
        %reduce_min3A_255 = vector.extract %reduce_min3A_254[15] : i32 from vector<16xi32>
        %min3A_256 = arith.minsi %min3A_240, %reduce_min3A_255 : i32
        %eq3A_257 = vector.broadcast %scan3A_41 : i32 to vector<16xi32>
        %eq3A_258 = arith.cmpi eq, %iota3A, %eq3A_257 : vector<16xi32>
        %broadcast_in_dim3A_259 = vector.broadcast %min3A_256 : i32 to vector<16xi32>
        %select_n3A_260 = arith.select %eq3A_258, %broadcast_in_dim3A_259, %scan3A_54 : vector<16xi1>, vector<16xi32>
        %sub3A = arith.constant 16 : i32
        %sub3A_261 = arith.subi %scan3A_41, %sub3A : i32
        %eq3A_262 = vector.broadcast %sub3A_261 : i32 to vector<16xi32>
        %eq3A_263 = arith.cmpi eq, %iota3A, %eq3A_262 : vector<16xi32>
        %broadcast_in_dim3A_264 = vector.broadcast %min3A_256 : i32 to vector<16xi32>
        %select_n3A_265 = arith.select %eq3A_263, %broadcast_in_dim3A_264, %scan3A_55 : vector<16xi1>, vector<16xi32>
        %add3A_266 = arith.constant 0 : i32
        %add3A_267 = vector.broadcast %add3A_266 : i32 to vector<16xi32>
        %add3A_268 = arith.addi %iota3A, %add3A_267 : vector<16xi32>
        %eq3A_269 = vector.broadcast %min3A_256 : i32 to vector<16xi32>
        %eq3A_270 = arith.cmpi eq, %add3A_268, %eq3A_269 : vector<16xi32>
        %broadcast_in_dim3A_271 = vector.broadcast %scan3A_29 : f32 to vector<16xf32>
        %select_n3A_272 = arith.select %eq3A_270, %broadcast_in_dim3A_271, %scan3A_42 : vector<16xi1>, vector<16xf32>
        %add3A_273 = arith.constant 16 : i32
        %add3A_274 = vector.broadcast %add3A_273 : i32 to vector<16xi32>
        %add3A_275 = arith.addi %iota3A, %add3A_274 : vector<16xi32>
        %eq3A_276 = vector.broadcast %min3A_256 : i32 to vector<16xi32>
        %eq3A_277 = arith.cmpi eq, %add3A_275, %eq3A_276 : vector<16xi32>
        %broadcast_in_dim3A_278 = vector.broadcast %scan3A_29 : f32 to vector<16xf32>
        %select_n3A_279 = arith.select %eq3A_277, %broadcast_in_dim3A_278, %scan3A_43 : vector<16xi1>, vector<16xf32>
        %add3A_280 = arith.constant 32 : i32
        %add3A_281 = vector.broadcast %add3A_280 : i32 to vector<16xi32>
        %add3A_282 = arith.addi %iota3A, %add3A_281 : vector<16xi32>
        %eq3A_283 = vector.broadcast %min3A_256 : i32 to vector<16xi32>
        %eq3A_284 = arith.cmpi eq, %add3A_282, %eq3A_283 : vector<16xi32>
        %broadcast_in_dim3A_285 = vector.broadcast %scan3A_29 : f32 to vector<16xf32>
        %select_n3A_286 = arith.select %eq3A_284, %broadcast_in_dim3A_285, %scan3A_44 : vector<16xi1>, vector<16xf32>
        %add3A_287 = arith.constant 48 : i32
        %add3A_288 = vector.broadcast %add3A_287 : i32 to vector<16xi32>
        %add3A_289 = arith.addi %iota3A, %add3A_288 : vector<16xi32>
        %eq3A_290 = vector.broadcast %min3A_256 : i32 to vector<16xi32>
        %eq3A_291 = arith.cmpi eq, %add3A_289, %eq3A_290 : vector<16xi32>
        %broadcast_in_dim3A_292 = vector.broadcast %scan3A_29 : f32 to vector<16xf32>
        %select_n3A_293 = arith.select %eq3A_291, %broadcast_in_dim3A_292, %scan3A_45 : vector<16xi1>, vector<16xf32>
        %add3A_294 = arith.constant 64 : i32
        %add3A_295 = vector.broadcast %add3A_294 : i32 to vector<16xi32>
        %add3A_296 = arith.addi %iota3A, %add3A_295 : vector<16xi32>
        %eq3A_297 = vector.broadcast %min3A_256 : i32 to vector<16xi32>
        %eq3A_298 = arith.cmpi eq, %add3A_296, %eq3A_297 : vector<16xi32>
        %broadcast_in_dim3A_299 = vector.broadcast %scan3A_29 : f32 to vector<16xf32>
        %select_n3A_300 = arith.select %eq3A_298, %broadcast_in_dim3A_299, %scan3A_46 : vector<16xi1>, vector<16xf32>
        %add3A_301 = arith.constant 80 : i32
        %add3A_302 = vector.broadcast %add3A_301 : i32 to vector<16xi32>
        %add3A_303 = arith.addi %iota3A, %add3A_302 : vector<16xi32>
        %eq3A_304 = vector.broadcast %min3A_256 : i32 to vector<16xi32>
        %eq3A_305 = arith.cmpi eq, %add3A_303, %eq3A_304 : vector<16xi32>
        %broadcast_in_dim3A_306 = vector.broadcast %scan3A_29 : f32 to vector<16xf32>
        %select_n3A_307 = arith.select %eq3A_305, %broadcast_in_dim3A_306, %scan3A_47 : vector<16xi1>, vector<16xf32>
        %add3A_308 = arith.constant 96 : i32
        %add3A_309 = vector.broadcast %add3A_308 : i32 to vector<16xi32>
        %add3A_310 = arith.addi %iota3A, %add3A_309 : vector<16xi32>
        %eq3A_311 = vector.broadcast %min3A_256 : i32 to vector<16xi32>
        %eq3A_312 = arith.cmpi eq, %add3A_310, %eq3A_311 : vector<16xi32>
        %broadcast_in_dim3A_313 = vector.broadcast %scan3A_29 : f32 to vector<16xf32>
        %select_n3A_314 = arith.select %eq3A_312, %broadcast_in_dim3A_313, %scan3A_48 : vector<16xi1>, vector<16xf32>
        %add3A_315 = arith.constant 112 : i32
        %add3A_316 = vector.broadcast %add3A_315 : i32 to vector<16xi32>
        %add3A_317 = arith.addi %iota3A, %add3A_316 : vector<16xi32>
        %eq3A_318 = vector.broadcast %min3A_256 : i32 to vector<16xi32>
        %eq3A_319 = arith.cmpi eq, %add3A_317, %eq3A_318 : vector<16xi32>
        %broadcast_in_dim3A_320 = vector.broadcast %scan3A_29 : f32 to vector<16xf32>
        %select_n3A_321 = arith.select %eq3A_319, %broadcast_in_dim3A_320, %scan3A_49 : vector<16xi1>, vector<16xf32>
        %add3A_322 = arith.constant 128 : i32
        %add3A_323 = vector.broadcast %add3A_322 : i32 to vector<16xi32>
        %add3A_324 = arith.addi %iota3A, %add3A_323 : vector<16xi32>
        %eq3A_325 = vector.broadcast %min3A_256 : i32 to vector<16xi32>
        %eq3A_326 = arith.cmpi eq, %add3A_324, %eq3A_325 : vector<16xi32>
        %broadcast_in_dim3A_327 = vector.broadcast %scan3A_29 : f32 to vector<16xf32>
        %select_n3A_328 = arith.select %eq3A_326, %broadcast_in_dim3A_327, %scan3A_50 : vector<16xi1>, vector<16xf32>
        %add3A_329 = arith.constant 144 : i32
        %add3A_330 = vector.broadcast %add3A_329 : i32 to vector<16xi32>
        %add3A_331 = arith.addi %iota3A, %add3A_330 : vector<16xi32>
        %eq3A_332 = vector.broadcast %min3A_256 : i32 to vector<16xi32>
        %eq3A_333 = arith.cmpi eq, %add3A_331, %eq3A_332 : vector<16xi32>
        %broadcast_in_dim3A_334 = vector.broadcast %scan3A_29 : f32 to vector<16xf32>
        %select_n3A_335 = arith.select %eq3A_333, %broadcast_in_dim3A_334, %scan3A_51 : vector<16xi1>, vector<16xf32>
        %add3A_336 = arith.constant 160 : i32
        %add3A_337 = vector.broadcast %add3A_336 : i32 to vector<16xi32>
        %add3A_338 = arith.addi %iota3A, %add3A_337 : vector<16xi32>
        %eq3A_339 = vector.broadcast %min3A_256 : i32 to vector<16xi32>
        %eq3A_340 = arith.cmpi eq, %add3A_338, %eq3A_339 : vector<16xi32>
        %broadcast_in_dim3A_341 = vector.broadcast %scan3A_29 : f32 to vector<16xf32>
        %select_n3A_342 = arith.select %eq3A_340, %broadcast_in_dim3A_341, %scan3A_52 : vector<16xi1>, vector<16xf32>
        %add3A_343 = arith.constant 176 : i32
        %add3A_344 = vector.broadcast %add3A_343 : i32 to vector<16xi32>
        %add3A_345 = arith.addi %iota3A, %add3A_344 : vector<16xi32>
        %eq3A_346 = vector.broadcast %min3A_256 : i32 to vector<16xi32>
        %eq3A_347 = arith.cmpi eq, %add3A_345, %eq3A_346 : vector<16xi32>
        %broadcast_in_dim3A_348 = vector.broadcast %scan3A_29 : f32 to vector<16xf32>
        %select_n3A_349 = arith.select %eq3A_347, %broadcast_in_dim3A_348, %scan3A_53 : vector<16xi1>, vector<16xf32>
        scf.yield %select_n3A_272, %select_n3A_279, %select_n3A_286, %select_n3A_293, %select_n3A_300, %select_n3A_307, %select_n3A_314, %select_n3A_321, %select_n3A_328, %select_n3A_335, %select_n3A_342, %select_n3A_349, %select_n3A_260, %select_n3A_265 : vector<16xf32>, vector<16xf32>, vector<16xf32>, vector<16xf32>, vector<16xf32>, vector<16xf32>, vector<16xf32>, vector<16xf32>, vector<16xf32>, vector<16xf32>, vector<16xf32>, vector<16xf32>, vector<16xi32>, vector<16xi32>
      }
      %scan3A_35 = arith.constant 32 : i32
      %swap3A = arith.constant 0 : index
      %swap3A_36 = tpu.vector_load %arg5[%swap3A] {strides = array<i32>} : memref<32xi32, #tpu.memory_space<vmem>>, vector<16xi32>,
      tpu.vector_store %arg5[%swap3A], %scan3A_34#12 {strides = array<i32>} : memref<32xi32, #tpu.memory_space<vmem>>, vector<16xi32>,
      %swap3A_37 = arith.constant 16 : index
      %swap3A_38 = tpu.vector_load %arg5[%swap3A_37] {strides = array<i32>} : memref<32xi32, #tpu.memory_space<vmem>>, vector<16xi32>,
      tpu.vector_store %arg5[%swap3A_37], %scan3A_34#13 {strides = array<i32>} : memref<32xi32, #tpu.memory_space<vmem>>, vector<16xi32>,
      %mul3A_39 = arith.constant 32 : i32
      %mul3A_40 = arith.muli %add3A, %mul3A_39 : i32
      "tpu.region"() ({
        %run_scoped3A = tpu.sem_alloc : memref<!tpu.dma_semaphore, #tpu.memory_space<semaphore_mem>>
        %dma_start3A = tpu.memref_slice %arg3[%mul3A_40] : memref<512xi32, #tpu.memory_space<hbm>> -> memref<32xi32, #tpu.memory_space<hbm>>
        %dma_start3A_41 = tpu.memref_slice %arg3[%mul3A_40] : memref<512xi32, #tpu.memory_space<hbm>> -> memref<32xi32, #tpu.memory_space<hbm>>
        tpu.enqueue_dma source(%arg5 : memref<32xi32, #tpu.memory_space<vmem>>) target(%dma_start3A_41 : memref<32xi32, #tpu.memory_space<hbm>>) target_semaphore(%run_scoped3A : memref<!tpu.dma_semaphore, #tpu.memory_space<semaphore_mem>>)
        %dma_wait3A = tpu.memref_slice %arg3[%mul3A_40] : memref<512xi32, #tpu.memory_space<hbm>> -> memref<32xi32, #tpu.memory_space<hbm>>
        %dma_wait3A_42 = tpu.memref_slice %arg3[%mul3A_40] : memref<512xi32, #tpu.memory_space<hbm>> -> memref<32xi32, #tpu.memory_space<hbm>>
        tpu.wait_dma2 semaphore(%run_scoped3A : memref<!tpu.dma_semaphore, #tpu.memory_space<semaphore_mem>>) src(%arg5 : memref<32xi32, #tpu.memory_space<vmem>>) dst(%dma_wait3A_42 : memref<32xi32, #tpu.memory_space<hbm>>)
        tpu.yield
      }) : () -> ()
    } else {
    }
    return
  }
}

module attributes {stable_mosaic.version = 14 : i64} {
  func.func @_main_body(%arg0: i32, %arg1: memref<2x1024x192xf32, #tpu.memory_space<vmem>>, %arg2: memref<192x192xf32, #tpu.memory_space<vmem>>, %arg3: memref<8x192xf32, #tpu.memory_space<vmem>>, %arg4: memref<2x1x32xi32, #tpu.memory_space<vmem>>, %arg5: memref<32x688xf32, #tpu.memory_space<vmem>>, %arg6: memref<32x688xf32, #tpu.memory_space<vmem>>, %arg7: memref<192x688xf32, #tpu.memory_space<vmem>>, %arg8: memref<8x688xf32, #tpu.memory_space<vmem>>, %arg9: memref<2x1024x688xf32, #tpu.memory_space<vmem>>) attributes {dimension_semantics = [#tpu.dimension_semantics<arbitrary>], iteration_bounds = array<i64: 8>, scalar_prefetch = 0 : i64, scratch_operands = 0 : i64, tpu.core_type = #tpu.core_type<tc>, window_params = [{transform_indices = @transform_0, window_bounds = array<i64: 2, 1024, 192>}, {pipeline_mode = #tpu.pipeline_mode<synchronous>, transform_indices = @transform_1, window_bounds = array<i64: 192, 192>}, {pipeline_mode = #tpu.pipeline_mode<synchronous>, transform_indices = @transform_2, window_bounds = array<i64: 8, 192>}, {transform_indices = @transform_3, window_bounds = array<i64: 2, 1, 32>}, {pipeline_mode = #tpu.pipeline_mode<synchronous>, transform_indices = @transform_4, window_bounds = array<i64: 32, 688>}, {pipeline_mode = #tpu.pipeline_mode<synchronous>, transform_indices = @transform_5, window_bounds = array<i64: 32, 688>}, {pipeline_mode = #tpu.pipeline_mode<synchronous>, transform_indices = @transform_6, window_bounds = array<i64: 192, 688>}, {pipeline_mode = #tpu.pipeline_mode<synchronous>, transform_indices = @transform_7, window_bounds = array<i64: 8, 688>}, {transform_indices = @transform_8, window_bounds = array<i64: 2, 1024, 688>}]} {
    %get3A = arith.constant 0 : index
    %get3A_0 = arith.constant 0 : index
    %get3A_1 = arith.constant 0 : index
    %get3A_2 = vector.load %arg1[%get3A, %get3A_0, %get3A_1] : memref<2x1024x192xf32, #tpu.memory_space<vmem>>, vector<1x1024x192xf32>
    %get3A_3 = vector.shape_cast %get3A_2 : vector<1x1024x192xf32> to vector<1024x192xf32>
    %get3A_4 = arith.constant 0 : index
    %get3A_5 = arith.constant 0 : index
    %get3A_6 = vector.load %arg2[%get3A_4, %get3A_5] : memref<192x192xf32, #tpu.memory_space<vmem>>, vector<192x192xf32>
    %dot_general3A = arith.constant dense<0.000000e+00> : vector<1024x192xf32>
    %dot_general3A_7 = tpu.matmul %get3A_3, %get3A_6, %dot_general3A {dimension_numbers = #tpu.dot_dimension_numbers<[1], [1], [0], [0], [0, 0, 1, 0], [], []>, transpose_lhs_hint = false} : vector<1024x192xf32>, vector<192x192xf32>, vector<1024x192xf32> -> vector<1024x192xf32>
    %get3A_8 = arith.constant 0 : index
    %get3A_9 = arith.constant 0 : index
    %get3A_10 = vector.load %arg3[%get3A_8, %get3A_9] : memref<8x192xf32, #tpu.memory_space<vmem>>, vector<1x192xf32>
    %add3A = vector.broadcast %get3A_10 : vector<1x192xf32> to vector<1024x192xf32>
    %add3A_11 = arith.addf %dot_general3A_7, %add3A : vector<1024x192xf32>
    %get3A_12 = arith.constant 0 : index
    %get3A_13 = arith.constant 0 : index
    %get3A_14 = arith.constant 0 : index
    %get3A_15 = vector.load %arg4[%get3A_12, %get3A_13, %get3A_14] : memref<2x1x32xi32, #tpu.memory_space<vmem>>, vector<1x1x32xi32>
    %get3A_16 = vector.shape_cast %get3A_15 : vector<1x1x32xi32> to vector<32xi32>
    %iota3A = tpu.iota {dimensions = array<i32: 0>} : vector<192x32xi32>
    %broadcast_in_dim3A = vector.shape_cast %get3A_16 : vector<32xi32> to vector<1x32xi32>
    %eq3A = vector.broadcast %broadcast_in_dim3A : vector<1x32xi32> to vector<192x32xi32>
    %eq3A_17 = arith.cmpi eq, %iota3A, %eq3A : vector<192x32xi32>
    %convert_element_type3A = arith.extui %eq3A_17 : vector<192x32xi1> to vector<192x32xi32>
    %convert_element_type3A_18 = arith.sitofp %convert_element_type3A : vector<192x32xi32> to vector<192x32xf32>
    %get3A_19 = arith.constant 0 : index
    %get3A_20 = arith.constant 0 : index
    %get3A_21 = vector.load %arg7[%get3A_19, %get3A_20] : memref<192x688xf32, #tpu.memory_space<vmem>>, vector<192x688xf32>
    %get3A_22 = arith.constant 0 : index
    %get3A_23 = arith.constant 0 : index
    %get3A_24 = vector.load %arg5[%get3A_22, %get3A_23] : memref<32x688xf32, #tpu.memory_space<vmem>>, vector<32x688xf32>
    %dot_general3A_25 = arith.constant dense<0.000000e+00> : vector<192x688xf32>
    %dot_general3A_26 = tpu.matmul %convert_element_type3A_18, %get3A_24, %dot_general3A_25 {dimension_numbers = #tpu.dot_dimension_numbers<[1], [0], [0], [1], [0, 0, 1, 1], [], []>, transpose_lhs_hint = false} : vector<192x32xf32>, vector<32x688xf32>, vector<192x688xf32> -> vector<192x688xf32>
    %add3A_27 = arith.addf %get3A_21, %dot_general3A_26 : vector<192x688xf32>
    %get3A_28 = arith.constant 0 : index
    %get3A_29 = arith.constant 0 : index
    %get3A_30 = vector.load %arg6[%get3A_28, %get3A_29] : memref<32x688xf32, #tpu.memory_space<vmem>>, vector<32x688xf32>
    %dot_general3A_31 = arith.constant dense<0.000000e+00> : vector<192x688xf32>
    %dot_general3A_32 = tpu.matmul %convert_element_type3A_18, %get3A_30, %dot_general3A_31 {dimension_numbers = #tpu.dot_dimension_numbers<[1], [0], [0], [1], [0, 0, 1, 1], [], []>, transpose_lhs_hint = false} : vector<192x32xf32>, vector<32x688xf32>, vector<192x688xf32> -> vector<192x688xf32>
    %dot_general3A_33 = arith.constant dense<0.000000e+00> : vector<1024x688xf32>
    %dot_general3A_34 = tpu.matmul %add3A_11, %add3A_27, %dot_general3A_33 {dimension_numbers = #tpu.dot_dimension_numbers<[1], [0], [0], [1], [0, 0, 1, 1], [], []>, transpose_lhs_hint = false} : vector<1024x192xf32>, vector<192x688xf32>, vector<1024x688xf32> -> vector<1024x688xf32>
    %dot_general3A_35 = arith.constant dense<0.000000e+00> : vector<1024x688xf32>
    %dot_general3A_36 = tpu.matmul %add3A_11, %dot_general3A_32, %dot_general3A_35 {dimension_numbers = #tpu.dot_dimension_numbers<[1], [0], [0], [1], [0, 0, 1, 1], [], []>, transpose_lhs_hint = false} : vector<1024x192xf32>, vector<192x688xf32>, vector<1024x688xf32> -> vector<1024x688xf32>
    %get3A_37 = arith.constant 0 : index
    %get3A_38 = arith.constant 0 : index
    %get3A_39 = vector.load %arg8[%get3A_37, %get3A_38] : memref<8x688xf32, #tpu.memory_space<vmem>>, vector<1x688xf32>
    %add3A_40 = vector.broadcast %get3A_39 : vector<1x688xf32> to vector<1024x688xf32>
    %add3A_41 = arith.addf %dot_general3A_36, %add3A_40 : vector<1024x688xf32>
    %mul3A = arith.mulf %dot_general3A_34, %add3A_41 : vector<1024x688xf32>
    %get3A_42 = arith.constant 1 : index
    %get3A_43 = arith.constant 0 : index
    %get3A_44 = vector.load %arg8[%get3A_42, %get3A_43] : memref<8x688xf32, #tpu.memory_space<vmem>>, vector<1x688xf32>
    %add3A_45 = vector.broadcast %get3A_44 : vector<1x688xf32> to vector<1024x688xf32>
    %add3A_46 = arith.addf %mul3A, %add3A_45 : vector<1024x688xf32>
    %swap3A = arith.constant 0 : index
    %swap3A_47 = arith.constant 0 : index
    %swap3A_48 = arith.constant 0 : index
    %swap3A_49 = vector.load %arg9[%swap3A, %swap3A_47, %swap3A_48] : memref<2x1024x688xf32, #tpu.memory_space<vmem>>, vector<1x1024x688xf32>
    %swap3A_50 = vector.shape_cast %swap3A_49 : vector<1x1024x688xf32> to vector<1024x688xf32>
    %swap3A_51 = vector.shape_cast %add3A_46 : vector<1024x688xf32> to vector<1x1024x688xf32>
    tpu.vector_store %arg9[%swap3A, %swap3A_47, %swap3A_48], %swap3A_51 {strides = array<i32>} : memref<2x1024x688xf32, #tpu.memory_space<vmem>>, vector<1x1024x688xf32>,
    %get3A_52 = arith.constant 1 : index
    %get3A_53 = arith.constant 0 : index
    %get3A_54 = arith.constant 0 : index
    %get3A_55 = vector.load %arg1[%get3A_52, %get3A_53, %get3A_54] : memref<2x1024x192xf32, #tpu.memory_space<vmem>>, vector<1x1024x192xf32>
    %get3A_56 = vector.shape_cast %get3A_55 : vector<1x1024x192xf32> to vector<1024x192xf32>
    %get3A_57 = arith.constant 0 : index
    %get3A_58 = arith.constant 0 : index
    %get3A_59 = vector.load %arg2[%get3A_57, %get3A_58] : memref<192x192xf32, #tpu.memory_space<vmem>>, vector<192x192xf32>
    %dot_general3A_60 = arith.constant dense<0.000000e+00> : vector<1024x192xf32>
    %dot_general3A_61 = tpu.matmul %get3A_56, %get3A_59, %dot_general3A_60 {dimension_numbers = #tpu.dot_dimension_numbers<[1], [1], [0], [0], [0, 0, 1, 0], [], []>, transpose_lhs_hint = false} : vector<1024x192xf32>, vector<192x192xf32>, vector<1024x192xf32> -> vector<1024x192xf32>
    %get3A_62 = arith.constant 0 : index
    %get3A_63 = arith.constant 0 : index
    %get3A_64 = vector.load %arg3[%get3A_62, %get3A_63] : memref<8x192xf32, #tpu.memory_space<vmem>>, vector<1x192xf32>
    %add3A_65 = vector.broadcast %get3A_64 : vector<1x192xf32> to vector<1024x192xf32>
    %add3A_66 = arith.addf %dot_general3A_61, %add3A_65 : vector<1024x192xf32>
    %get3A_67 = arith.constant 1 : index
    %get3A_68 = arith.constant 0 : index
    %get3A_69 = arith.constant 0 : index
    %get3A_70 = vector.load %arg4[%get3A_67, %get3A_68, %get3A_69] : memref<2x1x32xi32, #tpu.memory_space<vmem>>, vector<1x1x32xi32>
    %get3A_71 = vector.shape_cast %get3A_70 : vector<1x1x32xi32> to vector<32xi32>
    %iota3A_72 = tpu.iota {dimensions = array<i32: 0>} : vector<192x32xi32>
    %broadcast_in_dim3A_73 = vector.shape_cast %get3A_71 : vector<32xi32> to vector<1x32xi32>
    %eq3A_74 = vector.broadcast %broadcast_in_dim3A_73 : vector<1x32xi32> to vector<192x32xi32>
    %eq3A_75 = arith.cmpi eq, %iota3A_72, %eq3A_74 : vector<192x32xi32>
    %convert_element_type3A_76 = arith.extui %eq3A_75 : vector<192x32xi1> to vector<192x32xi32>
    %convert_element_type3A_77 = arith.sitofp %convert_element_type3A_76 : vector<192x32xi32> to vector<192x32xf32>
    %get3A_78 = arith.constant 0 : index
    %get3A_79 = arith.constant 0 : index
    %get3A_80 = vector.load %arg7[%get3A_78, %get3A_79] : memref<192x688xf32, #tpu.memory_space<vmem>>, vector<192x688xf32>
    %get3A_81 = arith.constant 0 : index
    %get3A_82 = arith.constant 0 : index
    %get3A_83 = vector.load %arg5[%get3A_81, %get3A_82] : memref<32x688xf32, #tpu.memory_space<vmem>>, vector<32x688xf32>
    %dot_general3A_84 = arith.constant dense<0.000000e+00> : vector<192x688xf32>
    %dot_general3A_85 = tpu.matmul %convert_element_type3A_77, %get3A_83, %dot_general3A_84 {dimension_numbers = #tpu.dot_dimension_numbers<[1], [0], [0], [1], [0, 0, 1, 1], [], []>, transpose_lhs_hint = false} : vector<192x32xf32>, vector<32x688xf32>, vector<192x688xf32> -> vector<192x688xf32>
    %add3A_86 = arith.addf %get3A_80, %dot_general3A_85 : vector<192x688xf32>
    %get3A_87 = arith.constant 0 : index
    %get3A_88 = arith.constant 0 : index
    %get3A_89 = vector.load %arg6[%get3A_87, %get3A_88] : memref<32x688xf32, #tpu.memory_space<vmem>>, vector<32x688xf32>
    %dot_general3A_90 = arith.constant dense<0.000000e+00> : vector<192x688xf32>
    %dot_general3A_91 = tpu.matmul %convert_element_type3A_77, %get3A_89, %dot_general3A_90 {dimension_numbers = #tpu.dot_dimension_numbers<[1], [0], [0], [1], [0, 0, 1, 1], [], []>, transpose_lhs_hint = false} : vector<192x32xf32>, vector<32x688xf32>, vector<192x688xf32> -> vector<192x688xf32>
    %dot_general3A_92 = arith.constant dense<0.000000e+00> : vector<1024x688xf32>
    %dot_general3A_93 = tpu.matmul %add3A_66, %add3A_86, %dot_general3A_92 {dimension_numbers = #tpu.dot_dimension_numbers<[1], [0], [0], [1], [0, 0, 1, 1], [], []>, transpose_lhs_hint = false} : vector<1024x192xf32>, vector<192x688xf32>, vector<1024x688xf32> -> vector<1024x688xf32>
    %dot_general3A_94 = arith.constant dense<0.000000e+00> : vector<1024x688xf32>
    %dot_general3A_95 = tpu.matmul %add3A_66, %dot_general3A_91, %dot_general3A_94 {dimension_numbers = #tpu.dot_dimension_numbers<[1], [0], [0], [1], [0, 0, 1, 1], [], []>, transpose_lhs_hint = false} : vector<1024x192xf32>, vector<192x688xf32>, vector<1024x688xf32> -> vector<1024x688xf32>
    %get3A_96 = arith.constant 0 : index
    %get3A_97 = arith.constant 0 : index
    %get3A_98 = vector.load %arg8[%get3A_96, %get3A_97] : memref<8x688xf32, #tpu.memory_space<vmem>>, vector<1x688xf32>
    %add3A_99 = vector.broadcast %get3A_98 : vector<1x688xf32> to vector<1024x688xf32>
    %add3A_100 = arith.addf %dot_general3A_95, %add3A_99 : vector<1024x688xf32>
    %mul3A_101 = arith.mulf %dot_general3A_93, %add3A_100 : vector<1024x688xf32>
    %get3A_102 = arith.constant 1 : index
    %get3A_103 = arith.constant 0 : index
    %get3A_104 = vector.load %arg8[%get3A_102, %get3A_103] : memref<8x688xf32, #tpu.memory_space<vmem>>, vector<1x688xf32>
    %add3A_105 = vector.broadcast %get3A_104 : vector<1x688xf32> to vector<1024x688xf32>
    %add3A_106 = arith.addf %mul3A_101, %add3A_105 : vector<1024x688xf32>
    %swap3A_107 = arith.constant 1 : index
    %swap3A_108 = arith.constant 0 : index
    %swap3A_109 = arith.constant 0 : index
    %swap3A_110 = vector.load %arg9[%swap3A_107, %swap3A_108, %swap3A_109] : memref<2x1024x688xf32, #tpu.memory_space<vmem>>, vector<1x1024x688xf32>
    %swap3A_111 = vector.shape_cast %swap3A_110 : vector<1x1024x688xf32> to vector<1024x688xf32>
    %swap3A_112 = vector.shape_cast %add3A_106 : vector<1024x688xf32> to vector<1x1024x688xf32>
    tpu.vector_store %arg9[%swap3A_107, %swap3A_108, %swap3A_109], %swap3A_112 {strides = array<i32>} : memref<2x1024x688xf32, #tpu.memory_space<vmem>>, vector<1x1024x688xf32>,
    return
  }
  func.func @transform_0(%arg0: i32) -> (i32, i32, i32) {
    %c0_i32 = arith.constant 0 : i32
    %c0_i32_0 = arith.constant 0 : i32
    %c0_i32_1 = arith.constant 0 : i32
    return %arg0, %c0_i32, %c0_i32_0 : i32, i32, i32
  }
  func.func @transform_1(%arg0: i32) -> (i32, i32) {
    %c0_i32 = arith.constant 0 : i32
    %c0_i32_0 = arith.constant 0 : i32
    %c0_i32_1 = arith.constant 0 : i32
    return %c0_i32, %c0_i32_0 : i32, i32
  }
  func.func @transform_2(%arg0: i32) -> (i32, i32) {
    %c0_i32 = arith.constant 0 : i32
    %c0_i32_0 = arith.constant 0 : i32
    %c0_i32_1 = arith.constant 0 : i32
    return %c0_i32, %c0_i32_0 : i32, i32
  }
  func.func @transform_3(%arg0: i32) -> (i32, i32, i32) {
    %c0_i32 = arith.constant 0 : i32
    %c0_i32_0 = arith.constant 0 : i32
    %c0_i32_1 = arith.constant 0 : i32
    return %arg0, %c0_i32, %c0_i32_0 : i32, i32, i32
  }
  func.func @transform_4(%arg0: i32) -> (i32, i32) {
    %c0_i32 = arith.constant 0 : i32
    %c0_i32_0 = arith.constant 0 : i32
    %c0_i32_1 = arith.constant 0 : i32
    return %c0_i32, %c0_i32_0 : i32, i32
  }
  func.func @transform_5(%arg0: i32) -> (i32, i32) {
    %c0_i32 = arith.constant 0 : i32
    %c0_i32_0 = arith.constant 0 : i32
    %c0_i32_1 = arith.constant 0 : i32
    return %c0_i32, %c0_i32_0 : i32, i32
  }
  func.func @transform_6(%arg0: i32) -> (i32, i32) {
    %c0_i32 = arith.constant 0 : i32
    %c0_i32_0 = arith.constant 0 : i32
    %c0_i32_1 = arith.constant 0 : i32
    return %c0_i32, %c0_i32_0 : i32, i32
  }
  func.func @transform_7(%arg0: i32) -> (i32, i32) {
    %c0_i32 = arith.constant 0 : i32
    %c0_i32_0 = arith.constant 0 : i32
    %c0_i32_1 = arith.constant 0 : i32
    return %c0_i32, %c0_i32_0 : i32, i32
  }
  func.func @transform_8(%arg0: i32) -> (i32, i32, i32) {
    %c0_i32 = arith.constant 0 : i32
    %c0_i32_0 = arith.constant 0 : i32
    %c0_i32_1 = arith.constant 0 : i32
    return %arg0, %c0_i32, %c0_i32_0 : i32, i32, i32
  }
}

</mosaic_0001>

<sc_bundles>
// kernel: kernel.4.cloned.1.call-start
scs
__scs_entry_jumppad:
0x0: {  	(pc) =	sbr.rel $0x88, $3  }
0x1: {  	(tag) =	ssettag $0x0;
	lr =	simm.s32 $0x1  }
0x2: {  	[smem:$0x3F94] =	sst lr;
	_ =	strace $0xD0000000  }
0x3: {  	_ = 	snop  }
0x4: {  	_ = 	snop  }
0x5: {  	_ = 	snop  }
0x6: {  	_ = 	snop  }
0x7: {  	_ = 	snop  }
__scs_overlays_trampoline_lowered:
0x8: {  	[smem:$0x3FA3] =	sst s0  }
0x9: {  	[smem:$0x3FA4] =	sst s1  }
0xa: {  	[smem:$0x3FA5] =	sst s2  }
0xb: {  	[smem:$0x3FA6] =	sst s3  }
0xc: {  	[smem:$0x3FA7] =	sst s4  }
0xd: {  	[smem:$0x3FA8] =	sst s5  }
0xe: {  	[smem:$0x3FA9] =	sst s6  }
0xf: {  	[smem:$0x3FAA] =	sst s7  }
0x10: {  	[smem:$0x3FAB] =	sst s8  }
0x11: {  	[smem:$0x3FAC] =	sst s9;
	s0 =	simm.s32 @!p0 $0x0  }
0x12: {  	s1 =	sld [smem:$0x3F92];
	s0 =	simm.s32 @p0 $0x1  }
0x13: {  	[smem:$0x3FAD] =	sst s0;
	s0 =	simm.s32 @!p1 $0x0  }
0x14: {  	s2 =	sld [smem:$0x3F91];
	s0 =	simm.s32 @p1 $0x1  }
0x15: {  	[smem:$0x3FAE] =	sst s0;
	s0 =	simm.s32 @!p2 $0x0  }
0x16: {  	s3 =	sld [smem:$0x3FDB];
	s0 =	simm.s32 @p2 $0x1  }
0x17: {  	s4 =	simm.s32 $0x1BF5;
	[smem:$0x3FB0] =	sst s0  }
0x18: {  	s0 =	sld [smem:$0x3F93];
	_ =	swait.ge [sflag:s4], $0x0  }
0x19: {  	s7 =	sld [smem:$0x3F94]  }
0x1a: {  	s8 =	sadd.s32 $0xFFFFE003, lr  }
0x1b: {  	s9 =	sadd.s32 $0xFFFFFEF7, lr;
	s5 =	simm.s32 $0xFFFFFFFF;
	p2 =	slt.u32 s8, $0xFFFFF086  }
0x1c: {  	p1 =	slt.u32 s9, $0xF7A;
	s5 =	simm.s32 @!p2 $0x0  }
0x1d: {  	s5 =	simm.s32 @p1 $0x1;
	p0 =	seq.s32 s7, s2  }
0x1e: {  	s7 =	smul.u32 @!p0 $0xF7A, s2;
	p2 =	seq.s32 @!p0 s5, $0x0  }
0x1f: {  	s9 =	smul.u32 $0xF7A, s1;
	s8 =	simm.s32 @!p0 $0x1BF5;
	p2 =	por !p2, p0  }
0x20: {  	[sflag:s8] =	ssyncset.s32 @!p0 $0xFFFFF086;
	s6 =	sadd.s32 @!p0 s3, s7;
	s7 =	simm.s32 @!p0 $0x108  }
0x21: {  	s3 =	sadd.s32 s3, s9;
	s6 =	sadd.s32 @!p0 $0x88, s6;
	s7 =	simm.s32 @p2 $0x1082  }
0x22: {  	[simem:s7], [sflag:s8] =	dma.local @!p0 [hbm:s6], $0xF7A  }
0x23: {  	s9 =	sor.u32 $0xD0000000, s2;
	s6 =	simm.s32 $0x108;
	_ =	swait.ge @!p0 [sflag:s8], $0x0  }
0x24: {  	s3 =	sadd.s32 $0x88, s3;
	s6 =	simm.s32 @!p1 $0x1082;
	[sflag:s4] =	ssyncset.s32 $0xFFFFF086  }
0x25: {  	[simem:s6], [sflag:s4] =	dma.local [hbm:s3], $0xF7A  }
0x26: {  	[smem:$0x3F94] =	sst s1;
	(tag) =	ssettag s2;
	_ =	strace s9  }
0x27: {  	s1 =	sld [smem:$0x3FA4]  }
0x28: {  	s2 =	sld [smem:$0x3FA5]  }
0x29: {  	s4 =	sld [smem:$0x3FA7]  }
0x2a: {  	p0 =	seq.s32 s5, $0x0;
	s5 =	sld [smem:$0x3FA8]  }
0x2b: {  	s6 =	sld [smem:$0x3FA9]  }
0x2c: {  	s7 =	sld [smem:$0x3FAA]  }
0x2d: {  	s3 =	simm.s32 $0x108;
	s8 =	sld [smem:$0x3FAB]  }
0x2e: {  	s3 =	simm.s32 @!p0 $0x1082;
	s9 =	sld [smem:$0x3FAC]  }
0x2f: {  	lr =	sadd.s32 s0, s3;
	s0 =	sld [smem:$0x3FA3]  }
0x30: {  	s3 =	sld [smem:$0x3FA6]  }
0x31: {  	[smem:$0x3FAF] =	sst s10  }
0x32: {  	s10 =	sld [smem:$0x3FAD];
	_ =	sdelay $0x3  }
0x33: {  	p0 =	seq.s32 s10, $0x1;
	s10 =	sld [smem:$0x3FAF];
	_ =	sdelay $0x3  }
0x34: {  	[smem:$0x3FAF] =	sst s10  }
0x35: {  	s10 =	sld [smem:$0x3FAE];
	_ =	sdelay $0x3  }
0x36: {  	p1 =	seq.s32 s10, $0x1;
	s10 =	sld [smem:$0x3FAF];
	_ =	sdelay $0x3  }
0x37: {  	[smem:$0x3FAF] =	sst s10  }
0x38: {  	s10 =	sld [smem:$0x3FB0]  }
0x39: {  	_ = 	snop;
	(pc) =	sbr.ind lr, $3  }
0x3a: {  	_ = 	snop  }
0x3b: {  	_ = 	snop  }
0x3c: {  	p2 =	seq.s32 s10, $0x1;
	s10 =	sld [smem:$0x3FAF]  }
0x3d: {  	_ =	shalt  }
0x3e: {  	_ =	shalt  }
0x3f: {  	_ =	shalt  }
0x40: {  	_ =	shalt  }
0x41: {  	_ =	shalt  }
0x42: {  	_ =	shalt  }
0x43: {  	_ =	shalt  }
0x44: {  	_ =	shalt  }
0x45: {  	_ =	shalt  }
0x46: {  	_ =	shalt  }
0x47: {  	_ =	shalt  }
0x48: {  	_ =	shalt  }
0x49: {  	_ =	shalt  }
0x4a: {  	_ =	shalt  }
0x4b: {  	_ =	shalt  }
0x4c: {  	_ =	shalt  }
0x4d: {  	_ =	shalt  }
0x4e: {  	_ =	shalt  }
0x4f: {  	_ =	shalt  }
0x50: {  	_ =	shalt  }
0x51: {  	_ =	shalt  }
0x52: {  	_ =	shalt  }
0x53: {  	_ =	shalt  }
0x54: {  	_ =	shalt  }
0x55: {  	_ =	shalt  }
0x56: {  	_ =	shalt  }
0x57: {  	_ =	shalt  }
0x58: {  	_ =	shalt  }
0x59: {  	_ =	shalt  }
0x5a: {  	_ =	shalt  }
0x5b: {  	_ =	shalt  }
0x5c: {  	_ =	shalt  }
0x5d: {  	_ =	shalt  }
0x5e: {  	_ =	shalt  }
0x5f: {  	_ =	shalt  }
0x60: {  	_ =	shalt  }
0x61: {  	_ =	shalt  }
0x62: {  	_ =	shalt  }
0x63: {  	_ =	shalt  }
0x64: {  	_ =	shalt  }
0x65: {  	_ =	shalt  }
0x66: {  	_ =	shalt  }
0x67: {  	_ =	shalt  }
0x68: {  	_ =	shalt  }
0x69: {  	_ =	shalt  }
0x6a: {  	_ =	shalt  }
0x6b: {  	_ =	shalt  }
0x6c: {  	_ =	shalt  }
0x6d: {  	_ =	shalt  }
0x6e: {  	_ =	shalt  }
0x6f: {  	_ =	shalt  }
0x70: {  	_ =	shalt  }
0x71: {  	_ =	shalt  }
0x72: {  	_ =	shalt  }
0x73: {  	_ =	shalt  }
0x74: {  	_ =	shalt  }
0x75: {  	_ =	shalt  }
0x76: {  	_ =	shalt  }
0x77: {  	_ =	shalt  }
0x78: {  	_ =	shalt  }
0x79: {  	_ =	shalt  }
0x7a: {  	_ =	shalt  }
0x7b: {  	_ =	shalt  }
0x7c: {  	_ =	shalt  }
0x7d: {  	_ =	shalt  }
0x7e: {  	_ =	shalt  }
0x7f: {  	_ =	shalt  }
0x80: {  	_ =	shalt  }
0x81: {  	_ =	shalt  }
0x82: {  	_ =	shalt  }
0x83: {  	_ =	shalt  }
0x84: {  	_ =	shalt  }
0x85: {  	_ =	shalt  }
0x86: {  	_ =	shalt  }
0x87: {  	_ =	shalt  }
.Lfunc_end0:
.L_simem_size_0:
called_computation_lowered:
.L_overlay_start_0:
0x88: {  	s0 =	sld [smem:$0x3FD9]  }
0x89: {  	s1 =	sld [smem:$0x3FFE];
	_ =	sdelay $0x3  }
0x8a: {  	s0 =	sadd.s32 s1, s0  }
0x8b: {  	[smem:$0x3FBB] =	sst s0  }
0x8c: {  	_ = 	snop  }
0x8d: {  	s0 =	sld [smem:$0x3FD0];
	(tm) =	ssettm $0x1  }
0x8e: {  	s16 =	sld [smem:$0x3FFB];
	_ =	sdelay $0x3  }
0x8f: {  	_ =	strace s16  }
0x90: {  	s1 =	sld [smem:$0x3FFC];
	_ =	sdelay $0x3  }
0x91: {  	_ =	strace s1  }
0x92: {  	s1 =	sld [smem:$0x3FFD];
	_ =	sdelay $0x3  }
0x93: {  	_ =	strace s1  }
0x94: {  	_ =	strace $0x8FFFFFFF  }
0x95: {  	s17 =	sld [smem:$0x3FDB];
	_ =	sdelay $0x1  }
0x96: {  	s2 =	simm.s32 $_scs_section_size  }
0x97: {  	s3 =	simm.s32 $_size__tile_overlayer_lowered;
	s4 =	simm.s32 $_tile_overlayer_lowered  }
0x98: {  	s20 =	simm.s32 $0x1BFF;
	s19 =	sshll.u32 s4, $0x1;
	s1 =	sadd.s32 s2, s17  }
0x99: {  	s5 =	simm.s32 $0x0;
	s18 =	sshll.u32 s3, $0x1;
	s3 =	sadd.s32 s19, s1  }
0x9a: {  	[timem:s5], [sflag:s20] =	dma.local [hbm:s3], s18  }
0x9b: {  	_ =	swait.ge [sflag:s20], s18  }
0x9c: {  	s2 =	ssub.s32 $0x0, s18;
	[sflag:s20] =	ssyncset.done $0x0  }
0x9d: {  	[sflag:s20] =	ssyncadd.s32 s2;
	_ =	sdelay $0x1  }
0x9e: {  	s21 =	simm.s32 $0x1B8B  }
0x9f: {  	_ =	swait.ge [sflag:s21], $0x1  }
0xa0: {  	[sflag:s21] =	ssyncset.done $0x0  }
0xa1: {  	s23 =	simm.s32 $0x1B8E;
	s22 =	sld [smem:$0x3FFE];
	[sflag:s21] =	ssyncadd.s32 $0xFFFFFFFF  }
0xa2: {  	s24 =	simm.s32 $execute0_lowered;
	[smem:$0x3FD2] =	sst s23  }
0xa3: {  	s3 =	sshll.u32 s24, $0x1;
	_ =	strace $0x80000046;
	[dreg:$0x1] =	wrdreg $0xFFFFFFFF  }
0xa4: {  	s25 =	simm.s32 $_size_execute0_lowered;
	s1 =	sadd.s32 s1, s3;
	[dreg:$0x0] =	wrdreg $0x0  }
0xa5: {  	s3 =	sshll.u32 s25, $0x1;
	[dreg:$0x2] =	wrdreg s1  }
0xa6: {  	[dreg:$0x3] =	wrdreg s3  }
0xa7: {  	[dreg:$0x4] =	wrdreg $0xC0  }
0xa8: {  	_ =	task [dreg:s5], $0x5FFFF  }
0xa9: {  	[dreg:$0x1] =	wrdreg $0xFFFFFFFF  }
0xaa: {  	[dreg:$0x0] =	wrdreg $0x60  }
0xab: {  	[dreg:$0x2] =	wrdreg s0  }
0xac: {  	[dreg:$0x3] =	wrdreg s22  }
0xad: {  	[dreg:$0x4] =	wrdreg $0x9  }
0xae: {  	_ =	task.clear_ibuf [dreg:s5], $0x5FFFF;
	_ =	strace $0x90000046  }
0xaf: {  	s26 =	simm.s32 $0x9;
	_ =	strace $0x80000048  }
0xb0: {  	_ =	swait.ge [sflag:s26], $0x1  }
0xb1: {  	[sflag:s26] =	ssyncadd.s32 $0xFFFFFFFF  }
0xb2: {  	_ =	strace $0x90000048  }
0xb3: {  	_ =	sfence  }
0xb4: {  	s28 =	sld [smem:$0x0];
	_ =	sdelay $0x1  }
0xb5: {  	s29 =	srdreg.scid  }
0xb6: {  	s30 =	sshll.u32 s29, $0xD;
	s31 =	sshrl.u32 s29, $0x2  }
0xb7: {  	s2 =	sand.u32 $0x4000, s30;
	s1 =	sand.u32 $0x1, s29;
	s0 =	sadd.s32 s31, s28  }
0xb8: {  	s1 =	sor.u32 s2, s1;
	s0 =	sshll.u32 s0, $0x11  }
0xb9: {  	s0 =	sor.u32 s0, s1  }
0xba: {  	s0 =	sadd.s32 $0x8F2B, s0  }
0xbb: {  	[sflag:s0] =	ssyncadd.remote.s32 $0x1  }
0xbc: {  	_ =	sfence.sel $0xFFFF  }
0xbd: {  	[dreg:$0x0] =	wrdreg $0xFFFFFFFF;
	(pc) =	sbr.abs _section_cstart, $3  }
0xbe: {  	[dreg:$0x1] =	wrdreg $0xFFFFFFFF  }
0xbf: {  	_ =	task.clear_ibuf [dreg:s5], $0x2FFFF;
	_ =	strace $0x9FFFFFFF  }
0xc0: {  	(tm) =	ssettm $0x7FFFFFFF  }
0xc1: {  	_ =	shalt  }
tec
execute0_lowered:
.L_overlay_start_1:
0x0: {  	(tag) =	ssettag $0x1  }
0x1: {  	s4 =	rddreg [dreg:$0x0]  }
0x2: {  	s2 =	rddreg [dreg:$0x1];
	s1 =	stileid.u32  }
0x3: {  	s0 =	rddreg [dreg:$0x2];
	s3 =	simm.s32 $0x0;
	s5 =	smul.u32 $0x18, s1  }
0x4: {  	[smem:$0x7FF] =	sst s3  }
0x5: {  	s18 =	simm.s32 $0x1;
	_ =	strace $0x80000047;
	s4 =	sadd.s32 s4, s5  }
0x6: {  	[tilespmem:s3], [sflag:$0x1] =	stream.linear.gather [hbm4b:s4+s3], $0xC0, $0x38;
	[tilespmem:$0x180] =	vst v63  }
0x7: {  	_ =	swait.ge [sflag:s18], $0xC0  }
0x8: {  	[sflag:s18] =	ssyncset.done $0x0  }
0x9: {  	[sflag:s18] =	ssyncadd.s32 $0xFFFFFF40  }
0xa: {  	v24 =	vld [tilespmem:$0x0]  }
0xb: {  	v26 =	vld [tilespmem:$0x10]  }
0xc: {  	v34 =	vld [tilespmem:$0x20]  }
0xd: {  	v30 =	vld [tilespmem:$0x30]  }
0xe: {  	v38 =	vld [tilespmem:$0x40]  }
0xf: {  	v9 =	vld [tilespmem:$0x50]  }
0x10: {  	v10 =	vld [tilespmem:$0x60];
	v0 =	vmax.f32 v24, v26  }
0x11: {  	v4 =	vld [tilespmem:$0x70];
	v0 =	vmax.f32 v0, v34  }
0x12: {  	v5 =	vld [tilespmem:$0x80];
	v0 =	vmax.f32 v0, v30  }
0x13: {  	v2 =	vld [tilespmem:$0x90];
	v0 =	vmax.f32 v0, v38  }
0x14: {  	v3 =	vld [tilespmem:$0xA0];
	v0 =	vmax.f32 v0, v9  }
0x15: {  	v1 =	vld [tilespmem:$0xB0];
	v0 =	vmax.f32 v0, v10  }
0x16: {  	v0 =	vmax.f32 v0, v4  }
0x17: {  	v0 =	vmax.f32 v0, v5  }
0x18: {  	v0 =	vmax.f32 v0, v2  }
0x19: {  	v0 =	vmax.f32 v0, v3  }
0x1a: {  	v0 =	vmax.f32 v0, v1  }
0x1b: {  	(xrf0) =	vmax.scan.msk.f32 $0xffff, v0;
	_ =	sdelay $0x5  }
0x1c: {  	v0, _, _ =	vpop (xrf0)  }
0x1d: {  	v20 =	vbroadcast v0, $0xF  }
0x1e: {  	v0 =	vlaneseq.u32  }
0x1f: {  	v6 =	vor.u32 $0x80000000, v0;
	vm0 =	veq.f32 v24, v20  }
0x20: {  	v7 =	vor.u32 $0x80000010, v0;
	vm12 =	veq.f32 v26, v20;
	v8 =	vnsel vm0, $0xC0000000, v6  }
0x21: {  	v11 =	vnsel vm12, $0xC0000000, v7;
	(xrf0) =	vmin.scan.msk.u32 $0xffff, v8  }
0x22: {  	vm13 =	veq.f32 v34, v20;
	v8 =	vor.u32 $0x80000020, v0;
	(xrf0) =	vmin.scan.msk.u32 $0xffff, v11  }
0x23: {  	v12 =	vnsel vm13, $0xC0000000, v8  }
0x24: {  	vm14 =	veq.f32 v30, v20;
	v11 =	vor.u32 $0x80000030, v0;
	(xrf0) =	vmin.scan.msk.u32 $0xffff, v12  }
0x25: {  	v12 =	vnsel vm14, $0xC0000000, v11  }
0x26: {  	v13 =	vor.u32 $0x80000040, v0;
	vm15 =	veq.f32 v38, v20;
	(xrf0) =	vmin.scan.msk.u32 $0xffff, v12  }
0x27: {  	v14 =	vnsel vm15, $0xC0000000, v13;
	v15, _, _ =	vpop (xrf0)  }
0x28: {  	vm4 =	veq.f32 v9, v20;
	v12 =	vor.u32 $0x80000050, v0;
	(xrf0) =	vmin.scan.msk.u32 $0xffff, v14;
	(v2sf) =	vpush v15, $0xF;
	v15, _, _ =	vpop (xrf0)  }
0x29: {  	v16 =	vnsel vm4, $0xC0000000, v12;
	(v2sf) =	vpush v15, $0xF  }
0x2a: {  	vm5 =	veq.f32 v10, v20;
	v14 =	vor.u32 $0x80000060, v0;
	(xrf0) =	vmin.scan.msk.u32 $0xffff, v16;
	v15, _, _ =	vpop (xrf0)  }
0x2b: {  	v16 =	vnsel vm5, $0xC0000000, v14;
	(v2sf) =	vpush v15, $0xF  }
0x2c: {  	vm6 =	veq.f32 v4, v20;
	(xrf0) =	vmin.scan.msk.u32 $0xffff, v16;
	v15 =	vor.u32 $0x80000070, v0;
	v17, _, _ =	vpop (xrf0)  }
0x2d: {  	v18 =	vnsel vm6, $0xC0000000, v15;
	(v2sf) =	vpush v17, $0xF  }
0x2e: {  	vm7 =	veq.f32 v5, v20;
	v16 =	vor.u32 $0x80000080, v0;
	v17, _, _ =	vpop (xrf0);
	(xrf0) =	vmin.scan.msk.u32 $0xffff, v18  }
0x2f: {  	v18 =	vnsel vm7, $0xC0000000, v16;
	(v2sf) =	vpush v17, $0xF  }
0x30: {  	vm8 =	veq.f32 v2, v20;
	v17 =	vor.u32 $0x80000090, v0;
	v19, _, _ =	vpop (xrf0);
	(xrf0) =	vmin.scan.msk.u32 $0xffff, v18  }
0x31: {  	v21 =	vnsel vm8, $0xC0000000, v17;
	(v2sf) =	vpush v19, $0xF  }
0x32: {  	vm9 =	veq.f32 v3, v20;
	v18 =	vor.u32 $0x800000A0, v0;
	v19, _, _ =	vpop (xrf0);
	(xrf0) =	vmin.scan.msk.u32 $0xffff, v21  }
0x33: {  	v21 =	vnsel vm9, $0xC0000000, v18;
	(v2sf) =	vpush v19, $0xF  }
0x34: {  	vm10 =	veq.f32 v1, v20;
	v19 =	vor.u32 $0x800000B0, v0;
	v20, _, _ =	vpop (xrf0);
	(xrf0) =	vmin.scan.msk.u32 $0xffff, v21  }
0x35: {  	v21 =	vnsel vm10, $0xC0000000, v19;
	(v2sf) =	vpush v20, $0xF  }
0x36: {  	v20, _, _ =	vpop (xrf0);
	(xrf0) =	vmin.scan.msk.u32 $0xffff, v21  }
0x37: {  	s19 =	spop (v2sf);
	(v2sf) =	vpush v20, $0xF  }
0x38: {  	v20, _, _ =	vpop (xrf0);
	s20 =	spop (v2sf)  }
0x39: {  	s4 =	sxor.u32 $0x80000000, s19;
	(v2sf) =	vpush v20, $0xF;
	s5 =	sxor.u32 $0x80000000, s20  }
0x3a: {  	s6 =	spop (v2sf);
	v20, _, _ =	vpop (xrf0);
	p0 =	slt.s32 s4, s5  }
0x3b: {  	(v2sf) =	vpush v20, $0xF;
	s5 =	smov.u32 @p0 s4;
	s4 =	sxor.u32 $0x80000000, s6  }
0x3c: {  	s21 =	spop (v2sf);
	v20, _, _ =	vpop (xrf0);
	p0 =	slt.s32 s5, s4  }
0x3d: {  	(v2sf) =	vpush v20, $0xF;
	s4 =	smov.u32 @p0 s5;
	s5 =	sxor.u32 $0x80000000, s21  }
0x3e: {  	s22 =	spop (v2sf);
	p0 =	slt.s32 s4, s5  }
0x3f: {  	s5 =	smov.u32 @p0 s4;
	s4 =	sxor.u32 $0x80000000, s22  }
0x40: {  	s23 =	spop (v2sf);
	p0 =	slt.s32 s5, s4  }
0x41: {  	s4 =	smov.u32 @p0 s5;
	s5 =	sxor.u32 $0x80000000, s23  }
0x42: {  	s24 =	spop (v2sf);
	p0 =	slt.s32 s4, s5  }
0x43: {  	s5 =	smov.u32 @p0 s4;
	s4 =	sxor.u32 $0x80000000, s24  }
0x44: {  	s25 =	spop (v2sf);
	p0 =	slt.s32 s5, s4  }
0x45: {  	s4 =	smov.u32 @p0 s5;
	s5 =	sxor.u32 $0x80000000, s25  }
0x46: {  	p0 =	slt.s32 s4, s5;
	s26 =	spop (v2sf)  }
0x47: {  	s5 =	smov.u32 @p0 s4;
	s4 =	sxor.u32 $0x80000000, s26  }
0x48: {  	s28 =	spop (v2sf);
	p0 =	slt.s32 s5, s4  }
0x49: {  	s4 =	smov.u32 @p0 s5;
	s5 =	sxor.u32 $0x80000000, s28  }
0x4a: {  	s29 =	spop (v2sf);
	p0 =	slt.s32 s4, s5  }
0x4b: {  	s31 =	simm.s32 $0xFFFFFFF0;
	s5 =	smov.u32 @p0 s4;
	s4 =	sxor.u32 $0x80000000, s29  }
0x4c: {  	v31 =	vmov s31;
	s30 =	spop (v2sf);
	p0 =	slt.s32 s5, s4  }
0x4d: {  	v27 =	vor.u32 $0x10, v0;
	v32 =	vor.u32 $0x20, v0;
	v33 =	vor.u32 $0x30, v0;
	s4 =	smov.u32 @p0 s5;
	s5 =	sxor.u32 $0x80000000, s30  }
0x4e: {  	v37 =	vor.u32 $0x40, v0;
	v35 =	vor.u32 $0x50, v0;
	v36 =	vor.u32 $0x60, v0;
	p0 =	slt.s32 s4, s5  }
0x4f: {  	v28 =	vor.u32 $0x70, v0;
	v29 =	vor.u32 $0x80, v0;
	v22 =	vor.u32 $0x90, v0;
	s5 =	smov.u32 @p0 s4  }
0x50: {  	v25 =	vor.u32 $0xA0, v0;
	v23 =	vor.u32 $0xB0, v0;
	v20 =	vmov s3;
	p0 =	slt.s32 s5, $0x40000000  }
0x51: {  	vm1 =	veq.s32 v31, v0;
	v21 =	vimm.s32 $0x0;
	vm11 =	veq.s32 v20, v0;
	s5 =	simm.s32 @!p0 $0x40000000  }
0x52: {  	v39 =	vmov s5;
	v20 =	vsel vm11, s5, v21;
	v21 =	vsel vm1, s5, v21  }
0x53: {  	vm12 =	veq.s32 v39, v0;
	vm13 =	veq.s32 v39, v27;
	vm2 =	veq.s32 v39, v32  }
0x54: {  	vm14 =	veq.s32 v39, v33;
	v31 =	vsel vm12, $0xFF800000, v24;
	v26 =	vsel vm13, $0xFF800000, v26  }
0x55: {  	vm15 =	veq.s32 v39, v37;
	v24 =	vsel vm2, $0xFF800000, v34;
	v63 =	vmax.f32 v31, v26  }
0x56: {  	s2 =	sadd.s32 $0x1E00, s2;
	s3 =	simm.s32 $0x1;
	s4 =	simm.s32 $0x2;
	v34 =	vsel vm14, $0xFF800000, v30;
	v30 =	vsel vm15, $0xFF800000, v38;
	v40 =	vmax.f32 v63, v24  }
.LBB2_1:
0x57: {  	p0 =	sne.s32 s4, $0x1F;
	v38 =	vmax.f32 v40, v34;
	vm0 =	veq.s32 v39, v35;
	vm1 =	veq.s32 v39, v36  }
0x58: {  	v38 =	vmax.f32 v38, v30;
	v9 =	vsel vm0, $0xFF800000, v9;
	v10 =	vsel vm1, $0xFF800000, v10  }
0x59: {  	vm0 =	veq.s32 v39, v28;
	vm1 =	veq.s32 v39, v29;
	v38 =	vmax.f32 v38, v9  }
0x5a: {  	v4 =	vsel vm0, $0xFF800000, v4;
	v5 =	vsel vm1, $0xFF800000, v5;
	v38 =	vmax.f32 v38, v10  }
0x5b: {  	vm0 =	veq.s32 v39, v22;
	vm1 =	veq.s32 v39, v25;
	v38 =	vmax.f32 v38, v4  }
0x5c: {  	v2 =	vsel vm0, $0xFF800000, v2;
	v3 =	vsel vm1, $0xFF800000, v3;
	v38 =	vmax.f32 v38, v5  }
0x5d: {  	vm0 =	veq.s32 v39, v23;
	v38 =	vmax.f32 v38, v2  }
0x5e: {  	v1 =	vsel vm0, $0xFF800000, v1;
	v38 =	vmax.f32 v38, v3  }
0x5f: {  	v38 =	vmax.f32 v38, v1  }
0x60: {  	(xrf0) =	vmax.scan.msk.f32 $0xffff, v38;
	_ =	sdelay $0x5  }
0x61: {  	v38, _, _ =	vpop (xrf0)  }
0x62: {  	v38 =	vbroadcast v38, $0xF;
	_ =	sdelay $0x1  }
0x63: {  	vm0 =	veq.f32 v31, v38  }
0x64: {  	v39 =	vnsel vm0, $0xC0000000, v6;
	vm0 =	veq.f32 v26, v38  }
0x65: {  	v40 =	vnsel vm0, $0xC0000000, v7;
	(xrf0) =	vmin.scan.msk.u32 $0xffff, v39  }
0x66: {  	vm0 =	veq.f32 v24, v38;
	(xrf0) =	vmin.scan.msk.u32 $0xffff, v40  }
0x67: {  	v39 =	vnsel vm0, $0xC0000000, v8  }
0x68: {  	vm0 =	veq.f32 v34, v38;
	(xrf0) =	vmin.scan.msk.u32 $0xffff, v39  }
0x69: {  	v39 =	vnsel vm0, $0xC0000000, v11  }
0x6a: {  	vm0 =	veq.f32 v30, v38;
	(xrf0) =	vmin.scan.msk.u32 $0xffff, v39  }
0x6b: {  	v39 =	vnsel vm0, $0xC0000000, v13;
	v40, _, _ =	vpop (xrf0)  }
0x6c: {  	vm0 =	veq.f32 v9, v38;
	(v2sf) =	vpush v40, $0xF;
	v40, _, _ =	vpop (xrf0);
	(xrf0) =	vmin.scan.msk.u32 $0xffff, v39  }
0x6d: {  	v39 =	vnsel vm0, $0xC0000000, v12;
	(v2sf) =	vpush v40, $0xF  }
0x6e: {  	vm0 =	veq.f32 v10, v38;
	v40, _, _ =	vpop (xrf0);
	(xrf0) =	vmin.scan.msk.u32 $0xffff, v39  }
0x6f: {  	v39 =	vnsel vm0, $0xC0000000, v14;
	(v2sf) =	vpush v40, $0xF  }
0x70: {  	vm0 =	veq.f32 v4, v38;
	v40, _, _ =	vpop (xrf0);
	(xrf0) =	vmin.scan.msk.u32 $0xffff, v39  }
0x71: {  	v39 =	vnsel vm0, $0xC0000000, v15;
	(v2sf) =	vpush v40, $0xF  }
0x72: {  	vm0 =	veq.f32 v5, v38;
	v40, _, _ =	vpop (xrf0);
	(xrf0) =	vmin.scan.msk.u32 $0xffff, v39  }
0x73: {  	v39 =	vnsel vm0, $0xC0000000, v16;
	(v2sf) =	vpush v40, $0xF  }
0x74: {  	vm0 =	veq.f32 v2, v38;
	v40, _, _ =	vpop (xrf0);
	(xrf0) =	vmin.scan.msk.u32 $0xffff, v39  }
0x75: {  	v39 =	vnsel vm0, $0xC0000000, v17;
	(v2sf) =	vpush v40, $0xF  }
0x76: {  	vm0 =	veq.f32 v3, v38;
	v40, _, _ =	vpop (xrf0);
	(xrf0) =	vmin.scan.msk.u32 $0xffff, v39  }
0x77: {  	v39 =	vnsel vm0, $0xC0000000, v18;
	(v2sf) =	vpush v40, $0xF  }
0x78: {  	vm0 =	veq.f32 v1, v38;
	v38, _, _ =	vpop (xrf0);
	(xrf0) =	vmin.scan.msk.u32 $0xffff, v39  }
0x79: {  	v39 =	vnsel vm0, $0xC0000000, v19;
	(v2sf) =	vpush v38, $0xF  }
0x7a: {  	v38, _, _ =	vpop (xrf0);
	(xrf0) =	vmin.scan.msk.u32 $0xffff, v39  }
0x7b: {  	s5 =	spop (v2sf);
	(v2sf) =	vpush v38, $0xF  }
0x7c: {  	s6 =	spop (v2sf);
	v38, _, _ =	vpop (xrf0)  }
0x7d: {  	s5 =	sxor.u32 $0x80000000, s5;
	s6 =	sxor.u32 $0x80000000, s6;
	(v2sf) =	vpush v38, $0xF  }
0x7e: {  	p1 =	slt.s32 s5, s6;
	s7 =	spop (v2sf);
	v38, _, _ =	vpop (xrf0)  }
0x7f: {  	s6 =	smov.u32 @p1 s5;
	s5 =	sxor.u32 $0x80000000, s7;
	(v2sf) =	vpush v38, $0xF  }
0x80: {  	p1 =	slt.s32 s6, s5;
	s7 =	spop (v2sf);
	v38, _, _ =	vpop (xrf0)  }
0x81: {  	s5 =	smov.u32 @p1 s6;
	s6 =	sxor.u32 $0x80000000, s7;
	(v2sf) =	vpush v38, $0xF  }
0x82: {  	p1 =	slt.s32 s5, s6;
	s7 =	spop (v2sf)  }
0x83: {  	s6 =	smov.u32 @p1 s5;
	s5 =	sxor.u32 $0x80000000, s7  }
0x84: {  	p1 =	slt.s32 s6, s5;
	s7 =	spop (v2sf)  }
0x85: {  	s5 =	smov.u32 @p1 s6;
	s6 =	sxor.u32 $0x80000000, s7  }
0x86: {  	p1 =	slt.s32 s5, s6;
	s7 =	spop (v2sf)  }
0x87: {  	s6 =	smov.u32 @p1 s5;
	s5 =	sxor.u32 $0x80000000, s7  }
0x88: {  	p1 =	slt.s32 s6, s5;
	s7 =	spop (v2sf)  }
0x89: {  	s5 =	smov.u32 @p1 s6;
	s6 =	sxor.u32 $0x80000000, s7  }
0x8a: {  	p1 =	slt.s32 s5, s6;
	s7 =	spop (v2sf)  }
0x8b: {  	s6 =	smov.u32 @p1 s5;
	s5 =	sxor.u32 $0x80000000, s7  }
0x8c: {  	p1 =	slt.s32 s6, s5;
	s7 =	spop (v2sf)  }
0x8d: {  	s5 =	smov.u32 @p1 s6;
	s6 =	sxor.u32 $0x80000000, s7  }
0x8e: {  	p1 =	slt.s32 s5, s6;
	s7 =	spop (v2sf)  }
0x8f: {  	s6 =	smov.u32 @p1 s5;
	s5 =	sxor.u32 $0x80000000, s7  }
0x90: {  	p1 =	slt.s32 s6, s5;
	s7 =	spop (v2sf)  }
0x91: {  	s5 =	smov.u32 @p1 s6;
	s6 =	sxor.u32 $0x80000000, s7  }
0x92: {  	p1 =	slt.s32 s5, s6  }
0x93: {  	s6 =	smov.u32 @p1 s5;
	s5 =	sadd.s32 $0xFFFFFFF0, s3  }
0x94: {  	v38 =	vmov s3;
	s3 =	smov.u32 s4;
	p1 =	slt.s32 s6, $0x40000000;
	v39 =	vmov s5  }
0x95: {  	vm0 =	veq.s32 v38, v0;
	s6 =	simm.s32 @!p1 $0x40000000;
	vm1 =	veq.s32 v39, v0  }
.Ltmp0:
0x96: {  	v39 =	vmov s6;
	v20 =	vsel vm0, s6, v20;
	v21 =	vsel vm1, s6, v21;
	(pc) =	sbr.rel @p0 .LBB2_1-.Ltmp0, $4  }
0x97: {  	vm0 =	veq.s32 v39, v0;
	vm1 =	veq.s32 v39, v27;
	vm2 =	veq.s32 v39, v32  }
0x98: {  	v31 =	vsel vm0, $0xFF800000, v31;
	v26 =	vsel vm1, $0xFF800000, v26;
	v24 =	vsel vm2, $0xFF800000, v24  }
0x99: {  	vm0 =	veq.s32 v39, v33;
	vm1 =	veq.s32 v39, v37;
	v38 =	vmax.f32 v31, v26  }
0x9a: {  	s4 =	sadd.s32 $0x1, s4;
	v34 =	vsel vm0, $0xFF800000, v34;
	v30 =	vsel vm1, $0xFF800000, v30;
	v40 =	vmax.f32 v38, v24  }
0x9b: {  	v27 =	vmax.f32 v40, v34;
	vm0 =	veq.s32 v39, v35  }
0x9c: {  	vm1 =	veq.s32 v39, v36;
	v27 =	vmax.f32 v27, v30;
	v9 =	vsel vm0, $0xFF800000, v9  }
0x9d: {  	vm9 =	veq.s32 v39, v28;
	v10 =	vsel vm1, $0xFF800000, v10;
	v27 =	vmax.f32 v27, v9  }
0x9e: {  	vm10 =	veq.s32 v39, v29;
	v4 =	vsel vm9, $0xFF800000, v4;
	v27 =	vmax.f32 v27, v10  }
0x9f: {  	vm11 =	veq.s32 v39, v22;
	v5 =	vsel vm10, $0xFF800000, v5;
	v27 =	vmax.f32 v27, v4  }
0xa0: {  	vm12 =	veq.s32 v39, v25;
	v2 =	vsel vm11, $0xFF800000, v2;
	v38 =	vmax.f32 v27, v5  }
0xa1: {  	vm13 =	veq.s32 v39, v23;
	v3 =	vsel vm12, $0xFF800000, v3;
	v22 =	vmax.f32 v38, v2  }
0xa2: {  	v1 =	vsel vm13, $0xFF800000, v1;
	v22 =	vmax.f32 v22, v3  }
0xa3: {  	v22 =	vmax.f32 v22, v1  }
0xa4: {  	(xrf0) =	vmax.scan.msk.f32 $0xffff, v22;
	_ =	sdelay $0x5  }
0xa5: {  	v22, _, _ =	vpop (xrf0)  }
0xa6: {  	v22 =	vbroadcast v22, $0xF;
	_ =	sdelay $0x1  }
0xa7: {  	vm14 =	veq.f32 v31, v22  }
0xa8: {  	vm15 =	veq.f32 v26, v22;
	v6 =	vnsel vm14, $0xC0000000, v6  }
0xa9: {  	v7 =	vnsel vm15, $0xC0000000, v7;
	(xrf0) =	vmin.scan.msk.u32 $0xffff, v6  }
0xaa: {  	vm4 =	veq.f32 v24, v22;
	(xrf0) =	vmin.scan.msk.u32 $0xffff, v7  }
0xab: {  	v40 =	vnsel vm4, $0xC0000000, v8  }
0xac: {  	vm5 =	veq.f32 v34, v22;
	(xrf0) =	vmin.scan.msk.u32 $0xffff, v40  }
0xad: {  	v41 =	vnsel vm5, $0xC0000000, v11  }
0xae: {  	vm6 =	veq.f32 v30, v22;
	(xrf0) =	vmin.scan.msk.u32 $0xffff, v41  }
0xaf: {  	v42 =	vnsel vm6, $0xC0000000, v13;
	v43, _, _ =	vpop (xrf0)  }
0xb0: {  	vm7 =	veq.f32 v9, v22;
	(xrf0) =	vmin.scan.msk.u32 $0xffff, v42;
	(v2sf) =	vpush v43, $0xF;
	v44, _, _ =	vpop (xrf0)  }
0xb1: {  	v45 =	vnsel vm7, $0xC0000000, v12;
	(v2sf) =	vpush v44, $0xF  }
0xb2: {  	vm8 =	veq.f32 v10, v22;
	(xrf0) =	vmin.scan.msk.u32 $0xffff, v45;
	v46, _, _ =	vpop (xrf0)  }
0xb3: {  	v47 =	vnsel vm8, $0xC0000000, v14;
	(v2sf) =	vpush v46, $0xF  }
0xb4: {  	vm9 =	veq.f32 v4, v22;
	(xrf0) =	vmin.scan.msk.u32 $0xffff, v47;
	v48, _, _ =	vpop (xrf0)  }
0xb5: {  	v49 =	vnsel vm9, $0xC0000000, v15;
	(v2sf) =	vpush v48, $0xF  }
0xb6: {  	vm10 =	veq.f32 v5, v22;
	v50, _, _ =	vpop (xrf0);
	(xrf0) =	vmin.scan.msk.u32 $0xffff, v49  }
0xb7: {  	v5 =	vnsel vm10, $0xC0000000, v16;
	(v2sf) =	vpush v50, $0xF  }
0xb8: {  	vm11 =	veq.f32 v2, v22;
	v51, _, _ =	vpop (xrf0);
	(xrf0) =	vmin.scan.msk.u32 $0xffff, v5  }
0xb9: {  	v52 =	vnsel vm11, $0xC0000000, v17;
	(v2sf) =	vpush v51, $0xF  }
0xba: {  	vm12 =	veq.f32 v3, v22;
	v53, _, _ =	vpop (xrf0);
	(xrf0) =	vmin.scan.msk.u32 $0xffff, v52  }
0xbb: {  	v3 =	vnsel vm12, $0xC0000000, v18;
	(v2sf) =	vpush v53, $0xF  }
0xbc: {  	vm13 =	veq.f32 v1, v22;
	v54, _, _ =	vpop (xrf0);
	(xrf0) =	vmin.scan.msk.u32 $0xffff, v3  }
0xbd: {  	v55 =	vnsel vm13, $0xC0000000, v19;
	(v2sf) =	vpush v54, $0xF  }
0xbe: {  	v56, _, _ =	vpop (xrf0);
	(xrf0) =	vmin.scan.msk.u32 $0xffff, v55  }
0xbf: {  	s4 =	spop (v2sf);
	(v2sf) =	vpush v56, $0xF  }
0xc0: {  	v57, _, _ =	vpop (xrf0);
	s5 =	spop (v2sf)  }
0xc1: {  	s4 =	sxor.u32 $0x80000000, s4;
	(v2sf) =	vpush v57, $0xF;
	s5 =	sxor.u32 $0x80000000, s5  }
0xc2: {  	s6 =	spop (v2sf);
	v58, _, _ =	vpop (xrf0);
	p0 =	slt.s32 s4, s5  }
0xc3: {  	(v2sf) =	vpush v58, $0xF;
	s5 =	smov.u32 @p0 s4;
	s4 =	sxor.u32 $0x80000000, s6  }
0xc4: {  	s17 =	spop (v2sf);
	v59, _, _ =	vpop (xrf0);
	p0 =	slt.s32 s5, s4  }
0xc5: {  	(v2sf) =	vpush v59, $0xF;
	s4 =	smov.u32 @p0 s5;
	s5 =	sxor.u32 $0x80000000, s17  }
0xc6: {  	s18 =	spop (v2sf);
	p0 =	slt.s32 s4, s5  }
0xc7: {  	s5 =	smov.u32 @p0 s4;
	s4 =	sxor.u32 $0x80000000, s18  }
0xc8: {  	s19 =	spop (v2sf);
	p0 =	slt.s32 s5, s4  }
0xc9: {  	s4 =	smov.u32 @p0 s5;
	s5 =	sxor.u32 $0x80000000, s19  }
0xca: {  	s20 =	spop (v2sf);
	p0 =	slt.s32 s4, s5  }
0xcb: {  	s5 =	smov.u32 @p0 s4;
	s4 =	sxor.u32 $0x80000000, s20  }
0xcc: {  	s21 =	spop (v2sf);
	p0 =	slt.s32 s5, s4  }
0xcd: {  	s4 =	smov.u32 @p0 s5;
	s5 =	sxor.u32 $0x80000000, s21  }
0xce: {  	p0 =	slt.s32 s4, s5;
	s22 =	spop (v2sf)  }
0xcf: {  	s5 =	smov.u32 @p0 s4;
	s4 =	sxor.u32 $0x80000000, s22  }
0xd0: {  	s23 =	spop (v2sf);
	p0 =	slt.s32 s5, s4  }
0xd1: {  	s4 =	smov.u32 @p0 s5;
	s5 =	sxor.u32 $0x80000000, s23  }
0xd2: {  	s24 =	spop (v2sf);
	p0 =	slt.s32 s4, s5  }
0xd3: {  	s5 =	smov.u32 @p0 s4;
	s4 =	sxor.u32 $0x80000000, s24  }
0xd4: {  	s25 =	spop (v2sf);
	p0 =	slt.s32 s5, s4  }
0xd5: {  	s4 =	smov.u32 @p0 s5;
	s5 =	sxor.u32 $0x80000000, s25  }
0xd6: {  	p0 =	slt.s32 s4, s5  }
0xd7: {  	s5 =	smov.u32 @p0 s4  }
0xd8: {  	s26 =	sadd.s32 $0xFFFFFFF0, s3;
	v60 =	vmov s3;
	p0 =	slt.s32 s5, $0x40000000  }
0xd9: {  	v61 =	vmov s26;
	vm14 =	veq.s32 v60, v0;
	s5 =	simm.s32 @!p0 $0x40000000  }
0xda: {  	vm15 =	veq.s32 v61, v0;
	v62 =	vsel vm14, s5, v20  }
0xdb: {  	s28 =	sshll.u32 s1, $0x2;
	s29 =	simm.s32 $0x0;
	v63 =	vsel vm15, s5, v21;
	[tilespmem:$0x100] =	vst v62  }
0xdc: {  	s30 =	simm.s32 $0x100;
	s31 =	simm.s32 $0x1;
	s2 =	sadd.s32 s2, s28;
	[tilespmem:$0x110] =	vst v63  }
0xdd: {  	[hbm4b:s2+s29] =	stream.linear.scatter [tilespmem:s30], [sflag:$0x1], $0x20, $0x38;
	[tilespmem:$0x180] =	vst v63  }
0xde: {  	_ =	swait.ge [sflag:s31], $0x20  }
0xdf: {  	[sflag:s31] =	ssyncset.done $0x0  }
0xe0: {  	[sflag:s31] =	ssyncadd.s32 $0xFFFFFFE0  }
0xe1: {  	_ =	sfence.sel $0x180000  }
0xe2: {  	[bflag:$0x0] =	sbarrier.arrive $0xFFFF  }
0xe3: {  	p0 =	sne.s32 s1, $0x0;
	_ =	strace $0x90000047  }
0xe4: {  	s0 =	sadd.s32 @!p0 $0x100000, s0;
	[bflag:$0x2] =	sbarrier.arrive $0xFFFF  }
0xe5: {  	[sflag:s0] =	ssyncadd.tile.s32 @!p0 $0x1;
	_ =	shalt  }
.Lfunc_end2:
_tile_overlayer_lowered:
.L_overlay_start_2:
0xe6: {  	(tag) =	ssettag $0x2  }
0xe7: {  	s0 =	rddreg [dreg:$0x0];
	s2 =	stileid.u32  }
0xe8: {  	s1 =	rddreg [dreg:$0x1];
	p0 =	sne.s32 s2, $0x0  }
0xe9: {  	s3 =	rddreg [dreg:$0x2];
	[bflag:$0x3] =	sbarrier.arrive $0xFFFF;
	s2 =	simm.s32 @!p0 $0x1C01  }
0xea: {  	[timem:s3], [sflag:s2] =	dma.local @!p0 [hbm:s0], s1  }
0xeb: {  	s0 =	simm.s32 @!p0 $0x1  }
0xec: {  	_ =	swait.ge @!p0 [sflag:s0], s1  }
0xed: {  	s1 =	ssub.s32 @!p0 $0x0, s1;
	[sflag:s0] =	ssyncset.done @!p0 $0x0  }
0xee: {  	[sflag:s0] =	ssyncadd.s32 @!p0 s1  }
0xef: {  	[bflag:$0x3] =	sbarrier.arrive $0xFFFF  }
0xf0: {  	_ =	shalt  }

</sc_bundles>
